<compile_context>
chip_gen: v7x
topology: tpu7x:2x2x1
jax: 0.10.2.dev20260603
libtpu: 0.0.44.dev20260713+nightly
codegen_flags: <defaults>
</compile_context>

<pallas_src>
import functools

import jax
import jax.numpy as jnp
from jax import lax
from jax.experimental import pallas as pl
from jax.experimental.pallas import tpu as pltpu
from jax.experimental.pallas import tpu_sc as plsc

IGNORE_VAL = -100.0
FRAC = 0.7
B = 4
NROW = 4096
NCOL = 1024
ROW = NROW * NCOL
K = int(ROW * FRAC)
NBINS = 32768
NW = 32
WPR = NW // B
SUBROWS = NROW // WPR
CROWS = 16
CHUNK = CROWS * NCOL
NCHUNKS = SUBROWS // CROWS
LANES = 16


def _sc_hist_kernel(o_hbm, t_hbm, cnt_hbm, obuf, tbuf, hcnt, sem):
    cid = lax.axis_index("c")
    sid = lax.axis_index("s")
    wid = sid * 2 + cid
    r = wid // WPR
    row0 = (wid % WPR) * SUBROWS

    def start(ci, buf):
        rs = row0 + ci * CROWS
        pltpu.async_copy(o_hbm.at[r, pl.ds(rs, CROWS), :], obuf.at[buf], sem.at[buf, 0])
        pltpu.async_copy(t_hbm.at[r, pl.ds(rs, CROWS), :], tbuf.at[buf], sem.at[buf, 1])

    def wait(ci, buf):
        rs = row0 + ci * CROWS
        pltpu.make_async_copy(o_hbm.at[r, pl.ds(rs, CROWS), :], obuf.at[buf], sem.at[buf, 0]).wait()
        pltpu.make_async_copy(t_hbm.at[r, pl.ds(rs, CROWS), :], tbuf.at[buf], sem.at[buf, 1]).wait()

    start(0, 0)
    start(1, 1)

    @plsc.parallel_loop(0, NBINS // LANES, unroll=8)
    def zero_body(i):
        hcnt[pl.ds(i * LANES, LANES)] = jnp.zeros((LANES,), jnp.int32)

    ones = jnp.ones((LANES,), jnp.int32)

    def process(ob, tb):
        @plsc.parallel_loop(0, CHUNK // LANES, unroll=8)
        def body(i):
            ri = lax.shift_right_logical(i, 6)
            vi = lax.shift_left(jnp.bitwise_and(i, 63), 4)
            o = ob[ri, pl.ds(vi, LANES)]
            t = tb[ri, pl.ds(vi, LANES)]
            d = o - t
            l = d * d
            l = jnp.where(t == IGNORE_VAL, jnp.zeros_like(l), l)
            bins = lax.shift_right_logical(plsc.bitcast(l, jnp.int32), 16)
            plsc.addupdate_scatter(hcnt, [bins], ones)

    @pl.loop(0, NCHUNKS, step=2)
    def chunk_loop(base):
        for b in range(2):
            ci = base + b
            wait(ci, b)
            process(obuf.at[b], tbuf.at[b])

            @pl.when(ci + 2 < NCHUNKS)
            def _():
                start(ci + 2, b)

    pltpu.sync_copy(hcnt, cnt_hbm.at[wid])


@jax.jit
def _sc_hist(o, t):
    mesh = plsc.VectorSubcoreMesh(core_axis_name="c", subcore_axis_name="s")
    fn = functools.partial(
        pl.kernel,
        mesh=mesh,
        out_type=jax.ShapeDtypeStruct((NW, NBINS), jnp.int32),
        scratch_types=[
            pltpu.VMEM((2, CROWS, NCOL), jnp.float32),
            pltpu.VMEM((2, CROWS, NCOL), jnp.float32),
            pltpu.VMEM((NBINS,), jnp.int32),
            pltpu.SemaphoreType.DMA((2, 2)),
        ],
        compiler_params=pltpu.CompilerParams(needs_layout_passes=False),
    )(_sc_hist_kernel)
    return fn(o, t)


def _select_kernel(cnt_ref, out_ref):
    cnt = jnp.sum(cnt_ref[...].astype(jnp.float32), axis=1)
    iota = lax.broadcasted_iota(jnp.int32, (B, NBINS), 1)
    repbits = lax.shift_left(iota, 16) | jnp.int32(0x8000)
    rep = lax.bitcast_convert_type(repbits, jnp.float32)
    rep = jnp.where(iota >= jnp.int32(0x7F80), jnp.float32(0.0), rep)
    kf = jnp.float32(K)

    def step(_, lohi):
        lo, hi = lohi
        mid = lax.shift_right_logical(lo + hi, 1)
        c = jnp.sum(jnp.where(iota < mid, cnt, 0.0), axis=1, keepdims=True)
        pred = c < kf
        lo = jnp.where(pred, mid, lo)
        hi = jnp.where(pred, hi, mid)
        return lo, hi

    lo0 = jnp.zeros((B, 1), jnp.int32)
    hi0 = jnp.full((B, 1), NBINS, jnp.int32)
    lo, hi = lax.fori_loop(0, 15, step, (lo0, hi0))

    below = iota < lo
    at = iota == lo
    c_below = jnp.sum(jnp.where(below, cnt, 0.0), axis=1, keepdims=True)
    s_below = jnp.sum(jnp.where(below, cnt * rep, 0.0), axis=1, keepdims=True)
    rep_star = jnp.sum(jnp.where(at, rep, 0.0), axis=1, keepdims=True)
    need = kf - c_below
    partial = s_below + need * rep_star
    val = jnp.sum(partial) / jnp.float32(B * K)
    out_ref[...] = jnp.reshape(val, (1, 1))


def kernel(output, target):
    cnt = _sc_hist(output, target)
    res = pl.pallas_call(
        _select_kernel,
        out_shape=jax.ShapeDtypeStruct((1, 1), jnp.float32),
    )(cnt.reshape(B, WPR, NBINS))
    return res[0, 0]

# --- scband reference (transcript-rebuilt; emitter-appended) ---
"""Pipeline reference for scband-mseloss-with-ignore-1580547974912 (READ-ONLY COPY).

The authoritative reference and input builder live on the scoring server;
editing this copy changes nothing except your own understanding.
"""

import jax, jax.numpy as jnp
import numpy as np

IGNORE_VALUE = -100
FRACTION = 0.7


def setup_inputs(seed: int = 0) -> dict:
    key = jax.random.key(seed)
    k1, k2 = jax.random.split(key)
    output = jax.random.normal(k1, (4, 4096, 1024), dtype=jnp.float32)
    target = jax.random.normal(k2, (4, 4096, 1024), dtype=jnp.float32)
    return {"output": output, "target": target}


def reference(output, target):
    # elementwise MSE, reduction='none'
    loss = (output - target) ** 2
    # masked_fill where target == ignore_value
    loss = jnp.where(target == IGNORE_VALUE, jnp.zeros_like(loss), loss)
    # fraction < 1: keep the k smallest elements per row
    loss = loss.reshape(loss.shape[0], -1)
    M = loss.shape[1]
    num_elements_to_keep = int(M * FRACTION)
    neg_vals, _ = jax.lax.top_k(-loss, num_elements_to_keep)
    loss = -neg_vals
    return loss.mean()

if __name__ == "__main__":
    import jax
    _d = setup_inputs()
    print(jax.jit(kernel)(*tuple(_d.values())))

</pallas_src>

<mosaic_0001>
#map = affine_map<(d0, d1) -> (0, 0, 0)>
#map1 = affine_map<(d0, d1) -> (0, 0)>
module attributes {stable_mosaic.version = 14 : i64} {
  func.func @_sc_hist_kernel(%arg0: i32, %arg1: i32, %arg2: memref<4x4096x1024xf32, #tpu.memory_space<hbm>>, %arg3: memref<4x4096x1024xf32, #tpu.memory_space<hbm>>, %arg4: memref<32x32768xi32, #tpu.memory_space<hbm>>, %arg5: memref<2x16x1024xf32, #tpu.memory_space<vmem>>, %arg6: memref<2x16x1024xf32, #tpu.memory_space<vmem>>, %arg7: memref<32768xi32, #tpu.memory_space<vmem>>, %arg8: memref<2x2x!tpu.dma_semaphore, #tpu.memory_space<semaphore_mem>>) attributes {dimension_semantics = [#tpu.dimension_semantics<core_parallel>, #tpu.dimension_semantics<subcore_parallel>], iteration_bounds = array<i64: 2, 16>, scalar_prefetch = 0 : i64, scratch_operands = 4 : i64, tpu.core_type = #tpu.core_type<sc_vector_subcore>, window_params = [{transform_indices = #map}, {transform_indices = #map}, {transform_indices = #map1}]} {
    %mul3A = arith.constant 2 : i32
    %mul3A_0 = arith.muli %arg1, %mul3A : i32
    %add3A = arith.addi %mul3A_0, %arg0 : i32
    %jit3A = arith.constant 8 : i32
    %div3A = arith.divsi %add3A, %jit3A : i32
    %sign3A = arith.constant 0 : i32
    %sign3A_1 = arith.cmpi sgt, %add3A, %sign3A : i32
    %sign3A_2 = arith.extui %sign3A_1 : i1 to i32
    %sign3A_3 = arith.constant 0 : i32
    %sign3A_4 = arith.cmpi slt, %add3A, %sign3A_3 : i32
    %sign3A_5 = arith.extui %sign3A_4 : i1 to i32
    %sign3A_6 = arith.subi %sign3A_2, %sign3A_5 : i32
    %sign3A_7 = arith.constant 0 : i32
    %sign3A_8 = arith.cmpi sgt, %jit3A, %sign3A_7 : i32
    %sign3A_9 = arith.extui %sign3A_8 : i1 to i32
    %sign3A_10 = arith.constant 0 : i32
    %sign3A_11 = arith.cmpi slt, %jit3A, %sign3A_10 : i32
    %sign3A_12 = arith.extui %sign3A_11 : i1 to i32
    %sign3A_13 = arith.subi %sign3A_9, %sign3A_12 : i32
    %ne3A = arith.cmpi ne, %sign3A_6, %sign3A_13 : i32
    %rem3A = arith.remsi %add3A, %jit3A : i32
    %ne3A_14 = arith.constant 0 : i32
    %ne3A_15 = arith.cmpi ne, %rem3A, %ne3A_14 : i32
    %and3A = arith.andi %ne3A, %ne3A_15 : i1
    %sub3A = arith.constant 1 : i32
    %sub3A_16 = arith.subi %div3A, %sub3A : i32
    %select_n3A = arith.select %and3A, %sub3A_16, %div3A : i32
    %jit3A_17 = arith.constant 8 : i32
    %eq3A = arith.constant 0 : i32
    %eq3A_18 = arith.cmpi eq, %jit3A_17, %eq3A : i32
    %jit3A_19 = arith.constant 1 : i32
    %select_n3A_20 = arith.select %eq3A_18, %jit3A_19, %jit3A_17 : i32
    %rem3A_21 = arith.remsi %add3A, %select_n3A_20 : i32
    %ne3A_22 = arith.constant 0 : i32
    %ne3A_23 = arith.cmpi ne, %rem3A_21, %ne3A_22 : i32
    %lt3A = arith.constant 0 : i32
    %lt3A_24 = arith.cmpi slt, %rem3A_21, %lt3A : i32
    %lt3A_25 = arith.constant 0 : i32
    %lt3A_26 = arith.cmpi slt, %select_n3A_20, %lt3A_25 : i32
    %ne3A_27 = arith.xori %lt3A_24, %lt3A_26 : i1
    %and3A_28 = arith.andi %ne3A_27, %ne3A_23 : i1
    %add3A_29 = arith.addi %rem3A_21, %select_n3A_20 : i32
    %select_n3A_30 = arith.select %and3A_28, %add3A_29, %rem3A_21 : i32
    %mul3A_31 = arith.constant 512 : i32
    %mul3A_32 = arith.muli %select_n3A_30, %mul3A_31 : i32
    %add3A_33 = arith.constant 0 : i32
    %add3A_34 = arith.addi %mul3A_32, %add3A_33 : i32
    %dma_start3A = arith.constant 0 : i32
    %dma_start3A_35 = arith.constant 0 : i32
    %dma_start3A_36 = arith.constant 0 : i32
    %dma_start3A_37 = arith.constant 0 : i32
    %dma_start3A_38 = arith.constant 0 : i32
    %dma_start3A_39 = tpu.memref_slice %arg5[%dma_start3A, %dma_start3A_37, %dma_start3A_38] : memref<2x16x1024xf32, #tpu.memory_space<vmem>> -> memref<1x16x1024xf32, #tpu.memory_space<vmem>>
    %dma_start3A_40 = tpu.memref_squeeze %dma_start3A_39 : memref<1x16x1024xf32, #tpu.memory_space<vmem>> -> memref<16x1024xf32, #tpu.memory_space<vmem>>
    %dma_start3A_41 = arith.constant 0 : i32
    %dma_start3A_42 = tpu.memref_slice %arg2[%select_n3A, %add3A_34, %dma_start3A_41] : memref<4x4096x1024xf32, #tpu.memory_space<hbm>> -> memref<1x16x1024xf32, #tpu.memory_space<hbm>>
    %dma_start3A_43 = tpu.memref_squeeze %dma_start3A_42 : memref<1x16x1024xf32, #tpu.memory_space<hbm>> -> memref<16x1024xf32, #tpu.memory_space<hbm>>
    %dma_start3A_44 = tpu.memref_slice %arg8[%dma_start3A_35, %dma_start3A_36] : memref<2x2x!tpu.dma_semaphore, #tpu.memory_space<semaphore_mem>> -> memref<1x1x!tpu.dma_semaphore, #tpu.memory_space<semaphore_mem>>
    %dma_start3A_45 = tpu.memref_squeeze %dma_start3A_44 : memref<1x1x!tpu.dma_semaphore, #tpu.memory_space<semaphore_mem>> -> memref<!tpu.dma_semaphore, #tpu.memory_space<semaphore_mem>>
    %dma_start3A_46 = arith.constant 0 : i32
    %dma_start3A_47 = arith.constant 0 : i32
    %dma_start3A_48 = tpu.memref_slice %arg5[%dma_start3A, %dma_start3A_46, %dma_start3A_47] : memref<2x16x1024xf32, #tpu.memory_space<vmem>> -> memref<1x16x1024xf32, #tpu.memory_space<vmem>>
    %dma_start3A_49 = tpu.memref_squeeze %dma_start3A_48 : memref<1x16x1024xf32, #tpu.memory_space<vmem>> -> memref<16x1024xf32, #tpu.memory_space<vmem>>
    %dma_start3A_50 = arith.constant 0 : i32
    %dma_start3A_51 = tpu.memref_slice %arg2[%select_n3A, %add3A_34, %dma_start3A_50] : memref<4x4096x1024xf32, #tpu.memory_space<hbm>> -> memref<1x16x1024xf32, #tpu.memory_space<hbm>>
    %dma_start3A_52 = tpu.memref_squeeze %dma_start3A_51 : memref<1x16x1024xf32, #tpu.memory_space<hbm>> -> memref<16x1024xf32, #tpu.memory_space<hbm>>
    tpu.enqueue_dma source(%dma_start3A_52 : memref<16x1024xf32, #tpu.memory_space<hbm>>) target(%dma_start3A_49 : memref<16x1024xf32, #tpu.memory_space<vmem>>) target_semaphore(%dma_start3A_45 : memref<!tpu.dma_semaphore, #tpu.memory_space<semaphore_mem>>)
    %dma_start3A_53 = arith.constant 0 : i32
    %dma_start3A_54 = arith.constant 0 : i32
    %dma_start3A_55 = arith.constant 1 : i32
    %dma_start3A_56 = arith.constant 0 : i32
    %dma_start3A_57 = arith.constant 0 : i32
    %dma_start3A_58 = tpu.memref_slice %arg6[%dma_start3A_53, %dma_start3A_56, %dma_start3A_57] : memref<2x16x1024xf32, #tpu.memory_space<vmem>> -> memref<1x16x1024xf32, #tpu.memory_space<vmem>>
    %dma_start3A_59 = tpu.memref_squeeze %dma_start3A_58 : memref<1x16x1024xf32, #tpu.memory_space<vmem>> -> memref<16x1024xf32, #tpu.memory_space<vmem>>
    %dma_start3A_60 = arith.constant 0 : i32
    %dma_start3A_61 = tpu.memref_slice %arg3[%select_n3A, %add3A_34, %dma_start3A_60] : memref<4x4096x1024xf32, #tpu.memory_space<hbm>> -> memref<1x16x1024xf32, #tpu.memory_space<hbm>>
    %dma_start3A_62 = tpu.memref_squeeze %dma_start3A_61 : memref<1x16x1024xf32, #tpu.memory_space<hbm>> -> memref<16x1024xf32, #tpu.memory_space<hbm>>
    %dma_start3A_63 = tpu.memref_slice %arg8[%dma_start3A_54, %dma_start3A_55] : memref<2x2x!tpu.dma_semaphore, #tpu.memory_space<semaphore_mem>> -> memref<1x1x!tpu.dma_semaphore, #tpu.memory_space<semaphore_mem>>
    %dma_start3A_64 = tpu.memref_squeeze %dma_start3A_63 : memref<1x1x!tpu.dma_semaphore, #tpu.memory_space<semaphore_mem>> -> memref<!tpu.dma_semaphore, #tpu.memory_space<semaphore_mem>>
    %dma_start3A_65 = arith.constant 0 : i32
    %dma_start3A_66 = arith.constant 0 : i32
    %dma_start3A_67 = tpu.memref_slice %arg6[%dma_start3A_53, %dma_start3A_65, %dma_start3A_66] : memref<2x16x1024xf32, #tpu.memory_space<vmem>> -> memref<1x16x1024xf32, #tpu.memory_space<vmem>>
    %dma_start3A_68 = tpu.memref_squeeze %dma_start3A_67 : memref<1x16x1024xf32, #tpu.memory_space<vmem>> -> memref<16x1024xf32, #tpu.memory_space<vmem>>
    %dma_start3A_69 = arith.constant 0 : i32
    %dma_start3A_70 = tpu.memref_slice %arg3[%select_n3A, %add3A_34, %dma_start3A_69] : memref<4x4096x1024xf32, #tpu.memory_space<hbm>> -> memref<1x16x1024xf32, #tpu.memory_space<hbm>>
    %dma_start3A_71 = tpu.memref_squeeze %dma_start3A_70 : memref<1x16x1024xf32, #tpu.memory_space<hbm>> -> memref<16x1024xf32, #tpu.memory_space<hbm>>
    tpu.enqueue_dma source(%dma_start3A_71 : memref<16x1024xf32, #tpu.memory_space<hbm>>) target(%dma_start3A_68 : memref<16x1024xf32, #tpu.memory_space<vmem>>) target_semaphore(%dma_start3A_64 : memref<!tpu.dma_semaphore, #tpu.memory_space<semaphore_mem>>)
    %add3A_72 = arith.constant 16 : i32
    %add3A_73 = arith.addi %mul3A_32, %add3A_72 : i32
    %dma_start3A_74 = arith.constant 1 : i32
    %dma_start3A_75 = arith.constant 1 : i32
    %dma_start3A_76 = arith.constant 0 : i32
    %dma_start3A_77 = arith.constant 0 : i32
    %dma_start3A_78 = arith.constant 0 : i32
    %dma_start3A_79 = tpu.memref_slice %arg5[%dma_start3A_74, %dma_start3A_77, %dma_start3A_78] : memref<2x16x1024xf32, #tpu.memory_space<vmem>> -> memref<1x16x1024xf32, #tpu.memory_space<vmem>>
    %dma_start3A_80 = tpu.memref_squeeze %dma_start3A_79 : memref<1x16x1024xf32, #tpu.memory_space<vmem>> -> memref<16x1024xf32, #tpu.memory_space<vmem>>
    %dma_start3A_81 = arith.constant 0 : i32
    %dma_start3A_82 = tpu.memref_slice %arg2[%select_n3A, %add3A_73, %dma_start3A_81] : memref<4x4096x1024xf32, #tpu.memory_space<hbm>> -> memref<1x16x1024xf32, #tpu.memory_space<hbm>>
    %dma_start3A_83 = tpu.memref_squeeze %dma_start3A_82 : memref<1x16x1024xf32, #tpu.memory_space<hbm>> -> memref<16x1024xf32, #tpu.memory_space<hbm>>
    %dma_start3A_84 = tpu.memref_slice %arg8[%dma_start3A_75, %dma_start3A_76] : memref<2x2x!tpu.dma_semaphore, #tpu.memory_space<semaphore_mem>> -> memref<1x1x!tpu.dma_semaphore, #tpu.memory_space<semaphore_mem>>
    %dma_start3A_85 = tpu.memref_squeeze %dma_start3A_84 : memref<1x1x!tpu.dma_semaphore, #tpu.memory_space<semaphore_mem>> -> memref<!tpu.dma_semaphore, #tpu.memory_space<semaphore_mem>>
    %dma_start3A_86 = arith.constant 0 : i32
    %dma_start3A_87 = arith.constant 0 : i32
    %dma_start3A_88 = tpu.memref_slice %arg5[%dma_start3A_74, %dma_start3A_86, %dma_start3A_87] : memref<2x16x1024xf32, #tpu.memory_space<vmem>> -> memref<1x16x1024xf32, #tpu.memory_space<vmem>>
    %dma_start3A_89 = tpu.memref_squeeze %dma_start3A_88 : memref<1x16x1024xf32, #tpu.memory_space<vmem>> -> memref<16x1024xf32, #tpu.memory_space<vmem>>
    %dma_start3A_90 = arith.constant 0 : i32
    %dma_start3A_91 = tpu.memref_slice %arg2[%select_n3A, %add3A_73, %dma_start3A_90] : memref<4x4096x1024xf32, #tpu.memory_space<hbm>> -> memref<1x16x1024xf32, #tpu.memory_space<hbm>>
    %dma_start3A_92 = tpu.memref_squeeze %dma_start3A_91 : memref<1x16x1024xf32, #tpu.memory_space<hbm>> -> memref<16x1024xf32, #tpu.memory_space<hbm>>
    tpu.enqueue_dma source(%dma_start3A_92 : memref<16x1024xf32, #tpu.memory_space<hbm>>) target(%dma_start3A_89 : memref<16x1024xf32, #tpu.memory_space<vmem>>) target_semaphore(%dma_start3A_85 : memref<!tpu.dma_semaphore, #tpu.memory_space<semaphore_mem>>)
    %dma_start3A_93 = arith.constant 1 : i32
    %dma_start3A_94 = arith.constant 1 : i32
    %dma_start3A_95 = arith.constant 1 : i32
    %dma_start3A_96 = arith.constant 0 : i32
    %dma_start3A_97 = arith.constant 0 : i32
    %dma_start3A_98 = tpu.memref_slice %arg6[%dma_start3A_93, %dma_start3A_96, %dma_start3A_97] : memref<2x16x1024xf32, #tpu.memory_space<vmem>> -> memref<1x16x1024xf32, #tpu.memory_space<vmem>>
    %dma_start3A_99 = tpu.memref_squeeze %dma_start3A_98 : memref<1x16x1024xf32, #tpu.memory_space<vmem>> -> memref<16x1024xf32, #tpu.memory_space<vmem>>
    %dma_start3A_100 = arith.constant 0 : i32
    %dma_start3A_101 = tpu.memref_slice %arg3[%select_n3A, %add3A_73, %dma_start3A_100] : memref<4x4096x1024xf32, #tpu.memory_space<hbm>> -> memref<1x16x1024xf32, #tpu.memory_space<hbm>>
    %dma_start3A_102 = tpu.memref_squeeze %dma_start3A_101 : memref<1x16x1024xf32, #tpu.memory_space<hbm>> -> memref<16x1024xf32, #tpu.memory_space<hbm>>
    %dma_start3A_103 = tpu.memref_slice %arg8[%dma_start3A_94, %dma_start3A_95] : memref<2x2x!tpu.dma_semaphore, #tpu.memory_space<semaphore_mem>> -> memref<1x1x!tpu.dma_semaphore, #tpu.memory_space<semaphore_mem>>
    %dma_start3A_104 = tpu.memref_squeeze %dma_start3A_103 : memref<1x1x!tpu.dma_semaphore, #tpu.memory_space<semaphore_mem>> -> memref<!tpu.dma_semaphore, #tpu.memory_space<semaphore_mem>>
    %dma_start3A_105 = arith.constant 0 : i32
    %dma_start3A_106 = arith.constant 0 : i32
    %dma_start3A_107 = tpu.memref_slice %arg6[%dma_start3A_93, %dma_start3A_105, %dma_start3A_106] : memref<2x16x1024xf32, #tpu.memory_space<vmem>> -> memref<1x16x1024xf32, #tpu.memory_space<vmem>>
    %dma_start3A_108 = tpu.memref_squeeze %dma_start3A_107 : memref<1x16x1024xf32, #tpu.memory_space<vmem>> -> memref<16x1024xf32, #tpu.memory_space<vmem>>
    %dma_start3A_109 = arith.constant 0 : i32
    %dma_start3A_110 = tpu.memref_slice %arg3[%select_n3A, %add3A_73, %dma_start3A_109] : memref<4x4096x1024xf32, #tpu.memory_space<hbm>> -> memref<1x16x1024xf32, #tpu.memory_space<hbm>>
    %dma_start3A_111 = tpu.memref_squeeze %dma_start3A_110 : memref<1x16x1024xf32, #tpu.memory_space<hbm>> -> memref<16x1024xf32, #tpu.memory_space<hbm>>
    tpu.enqueue_dma source(%dma_start3A_111 : memref<16x1024xf32, #tpu.memory_space<hbm>>) target(%dma_start3A_108 : memref<16x1024xf32, #tpu.memory_space<vmem>>) target_semaphore(%dma_start3A_104 : memref<!tpu.dma_semaphore, #tpu.memory_space<semaphore_mem>>)
    %parallel_loop3A = arith.constant 0 : i32
    %parallel_loop3A_112 = arith.constant 2048 : i32
    %parallel_loop3A_113 = arith.constant 1 : i32
    scf.for %parallel_loop3A_119 = %parallel_loop3A to %parallel_loop3A_112 step %parallel_loop3A_113  : i32 {
      %parallel_loop3A_120 = arith.constant 0 : i32
      %parallel_loop3A_121 = vector.broadcast %parallel_loop3A_120 : i32 to vector<16xi32>
      %parallel_loop3A_122 = arith.constant 16 : i32
      %parallel_loop3A_123 = arith.muli %parallel_loop3A_119, %parallel_loop3A_122 : i32
      %parallel_loop3A_124 = arith.index_cast %parallel_loop3A_123 : i32 to index
      %parallel_loop3A_125 = tpu.vector_load %arg7[%parallel_loop3A_124] {strides = array<i32>} : memref<32768xi32, #tpu.memory_space<vmem>>, vector<16xi32>,
      tpu.vector_store %arg7[%parallel_loop3A_124], %parallel_loop3A_121 {strides = array<i32>} : memref<32768xi32, #tpu.memory_space<vmem>>, vector<16xi32>,
    } {sc.loop_unroll_factor = 8 : i64, sc.parallel_access}
    %broadcast_in_dim3A = arith.constant 1 : i32
    %broadcast_in_dim3A_114 = vector.broadcast %broadcast_in_dim3A : i32 to vector<16xi32>
    %scan3A = arith.constant 0 : i32
    %scan3A_115 = arith.constant 16 : i32
    %scan3A_116 = arith.addi %scan3A, %scan3A_115 : i32
    %scan3A_117 = arith.constant 1 : i32
    scf.for %scan3A_119 = %scan3A to %scan3A_116 step %scan3A_117  : i32 {
      %mul3A_120 = arith.constant 2 : i32
      %mul3A_121 = arith.muli %scan3A_119, %mul3A_120 : i32
      %add3A_122 = arith.constant 0 : i32
      %add3A_123 = arith.addi %add3A_122, %mul3A_121 : i32
      %add3A_124 = arith.constant 0 : i32
      %add3A_125 = arith.addi %add3A_123, %add3A_124 : i32
      %mul3A_126 = arith.constant 16 : i32
      %mul3A_127 = arith.muli %add3A_125, %mul3A_126 : i32
      %add3A_128 = arith.addi %mul3A_32, %mul3A_127 : i32
      %dma_wait3A = arith.constant 0 : i32
      %dma_wait3A_129 = arith.constant 0 : i32
      %dma_wait3A_130 = arith.constant 0 : i32
      %dma_wait3A_131 = arith.constant 0 : i32
      %dma_wait3A_132 = arith.constant 0 : i32
      %dma_wait3A_133 = tpu.memref_slice %arg5[%dma_wait3A, %dma_wait3A_131, %dma_wait3A_132] : memref<2x16x1024xf32, #tpu.memory_space<vmem>> -> memref<1x16x1024xf32, #tpu.memory_space<vmem>>
      %dma_wait3A_134 = tpu.memref_squeeze %dma_wait3A_133 : memref<1x16x1024xf32, #tpu.memory_space<vmem>> -> memref<16x1024xf32, #tpu.memory_space<vmem>>
      %dma_wait3A_135 = arith.constant 0 : i32
      %dma_wait3A_136 = tpu.memref_slice %arg2[%select_n3A, %add3A_128, %dma_wait3A_135] : memref<4x4096x1024xf32, #tpu.memory_space<hbm>> -> memref<1x16x1024xf32, #tpu.memory_space<hbm>>
      %dma_wait3A_137 = tpu.memref_squeeze %dma_wait3A_136 : memref<1x16x1024xf32, #tpu.memory_space<hbm>> -> memref<16x1024xf32, #tpu.memory_space<hbm>>
      %dma_wait3A_138 = tpu.memref_slice %arg8[%dma_wait3A_129, %dma_wait3A_130] : memref<2x2x!tpu.dma_semaphore, #tpu.memory_space<semaphore_mem>> -> memref<1x1x!tpu.dma_semaphore, #tpu.memory_space<semaphore_mem>>
      %dma_wait3A_139 = tpu.memref_squeeze %dma_wait3A_138 : memref<1x1x!tpu.dma_semaphore, #tpu.memory_space<semaphore_mem>> -> memref<!tpu.dma_semaphore, #tpu.memory_space<semaphore_mem>>
      %dma_wait3A_140 = arith.constant 0 : i32
      %dma_wait3A_141 = arith.constant 0 : i32
      %dma_wait3A_142 = tpu.memref_slice %arg5[%dma_wait3A, %dma_wait3A_140, %dma_wait3A_141] : memref<2x16x1024xf32, #tpu.memory_space<vmem>> -> memref<1x16x1024xf32, #tpu.memory_space<vmem>>
      %dma_wait3A_143 = tpu.memref_squeeze %dma_wait3A_142 : memref<1x16x1024xf32, #tpu.memory_space<vmem>> -> memref<16x1024xf32, #tpu.memory_space<vmem>>
      %dma_wait3A_144 = arith.constant 0 : i32
      %dma_wait3A_145 = tpu.memref_slice %arg2[%select_n3A, %add3A_128, %dma_wait3A_144] : memref<4x4096x1024xf32, #tpu.memory_space<hbm>> -> memref<1x16x1024xf32, #tpu.memory_space<hbm>>
      %dma_wait3A_146 = tpu.memref_squeeze %dma_wait3A_145 : memref<1x16x1024xf32, #tpu.memory_space<hbm>> -> memref<16x1024xf32, #tpu.memory_space<hbm>>
      tpu.wait_dma2 semaphore(%dma_wait3A_139 : memref<!tpu.dma_semaphore, #tpu.memory_space<semaphore_mem>>) src(%dma_wait3A_146 : memref<16x1024xf32, #tpu.memory_space<hbm>>) dst(%dma_wait3A_143 : memref<16x1024xf32, #tpu.memory_space<vmem>>)
      %dma_wait3A_147 = arith.constant 0 : i32
      %dma_wait3A_148 = arith.constant 0 : i32
      %dma_wait3A_149 = arith.constant 1 : i32
      %dma_wait3A_150 = arith.constant 0 : i32
      %dma_wait3A_151 = arith.constant 0 : i32
      %dma_wait3A_152 = tpu.memref_slice %arg6[%dma_wait3A_147, %dma_wait3A_150, %dma_wait3A_151] : memref<2x16x1024xf32, #tpu.memory_space<vmem>> -> memref<1x16x1024xf32, #tpu.memory_space<vmem>>
      %dma_wait3A_153 = tpu.memref_squeeze %dma_wait3A_152 : memref<1x16x1024xf32, #tpu.memory_space<vmem>> -> memref<16x1024xf32, #tpu.memory_space<vmem>>
      %dma_wait3A_154 = arith.constant 0 : i32
      %dma_wait3A_155 = tpu.memref_slice %arg3[%select_n3A, %add3A_128, %dma_wait3A_154] : memref<4x4096x1024xf32, #tpu.memory_space<hbm>> -> memref<1x16x1024xf32, #tpu.memory_space<hbm>>
      %dma_wait3A_156 = tpu.memref_squeeze %dma_wait3A_155 : memref<1x16x1024xf32, #tpu.memory_space<hbm>> -> memref<16x1024xf32, #tpu.memory_space<hbm>>
      %dma_wait3A_157 = tpu.memref_slice %arg8[%dma_wait3A_148, %dma_wait3A_149] : memref<2x2x!tpu.dma_semaphore, #tpu.memory_space<semaphore_mem>> -> memref<1x1x!tpu.dma_semaphore, #tpu.memory_space<semaphore_mem>>
      %dma_wait3A_158 = tpu.memref_squeeze %dma_wait3A_157 : memref<1x1x!tpu.dma_semaphore, #tpu.memory_space<semaphore_mem>> -> memref<!tpu.dma_semaphore, #tpu.memory_space<semaphore_mem>>
      %dma_wait3A_159 = arith.constant 0 : i32
      %dma_wait3A_160 = arith.constant 0 : i32
      %dma_wait3A_161 = tpu.memref_slice %arg6[%dma_wait3A_147, %dma_wait3A_159, %dma_wait3A_160] : memref<2x16x1024xf32, #tpu.memory_space<vmem>> -> memref<1x16x1024xf32, #tpu.memory_space<vmem>>
      %dma_wait3A_162 = tpu.memref_squeeze %dma_wait3A_161 : memref<1x16x1024xf32, #tpu.memory_space<vmem>> -> memref<16x1024xf32, #tpu.memory_space<vmem>>
      %dma_wait3A_163 = arith.constant 0 : i32
      %dma_wait3A_164 = tpu.memref_slice %arg3[%select_n3A, %add3A_128, %dma_wait3A_163] : memref<4x4096x1024xf32, #tpu.memory_space<hbm>> -> memref<1x16x1024xf32, #tpu.memory_space<hbm>>
      %dma_wait3A_165 = tpu.memref_squeeze %dma_wait3A_164 : memref<1x16x1024xf32, #tpu.memory_space<hbm>> -> memref<16x1024xf32, #tpu.memory_space<hbm>>
      tpu.wait_dma2 semaphore(%dma_wait3A_158 : memref<!tpu.dma_semaphore, #tpu.memory_space<semaphore_mem>>) src(%dma_wait3A_165 : memref<16x1024xf32, #tpu.memory_space<hbm>>) dst(%dma_wait3A_162 : memref<16x1024xf32, #tpu.memory_space<vmem>>)
      %parallel_loop3A_166 = arith.constant 0 : i32
      %parallel_loop3A_167 = arith.constant 1024 : i32
      %parallel_loop3A_168 = arith.constant 1 : i32
      %parallel_loop3A_169 = arith.constant 0 : i32
      %parallel_loop3A_170 = arith.constant 0 : i32
      scf.for %parallel_loop3A_231 = %parallel_loop3A_166 to %parallel_loop3A_167 step %parallel_loop3A_168  : i32 {
        %parallel_loop3A_232 = arith.constant 6 : i32
        %parallel_loop3A_233 = arith.shrui %parallel_loop3A_231, %parallel_loop3A_232 : i32
        %parallel_loop3A_234 = arith.constant 63 : i32
        %parallel_loop3A_235 = arith.andi %parallel_loop3A_231, %parallel_loop3A_234 : i32
        %parallel_loop3A_236 = arith.constant 4 : i32
        %parallel_loop3A_237 = arith.shli %parallel_loop3A_235, %parallel_loop3A_236 : i32
        %parallel_loop3A_238 = arith.constant 0 : i32
        %parallel_loop3A_239 = arith.constant 0 : i32
        %parallel_loop3A_240 = tpu.memref_slice %arg5[%parallel_loop3A_169, %parallel_loop3A_238, %parallel_loop3A_239] : memref<2x16x1024xf32, #tpu.memory_space<vmem>> -> memref<1x16x1024xf32, #tpu.memory_space<vmem>>
        %parallel_loop3A_241 = tpu.memref_squeeze %parallel_loop3A_240 : memref<1x16x1024xf32, #tpu.memory_space<vmem>> -> memref<16x1024xf32, #tpu.memory_space<vmem>>
        %parallel_loop3A_242 = arith.index_cast %parallel_loop3A_233 : i32 to index
        %parallel_loop3A_243 = arith.index_cast %parallel_loop3A_237 : i32 to index
        %parallel_loop3A_244 = tpu.vector_load %parallel_loop3A_241[%parallel_loop3A_242, %parallel_loop3A_243] {strides = array<i32>} : memref<16x1024xf32, #tpu.memory_space<vmem>>, vector<16xf32>,
        %parallel_loop3A_245 = arith.constant 0 : i32
        %parallel_loop3A_246 = arith.constant 0 : i32
        %parallel_loop3A_247 = tpu.memref_slice %arg6[%parallel_loop3A_170, %parallel_loop3A_245, %parallel_loop3A_246] : memref<2x16x1024xf32, #tpu.memory_space<vmem>> -> memref<1x16x1024xf32, #tpu.memory_space<vmem>>
        %parallel_loop3A_248 = tpu.memref_squeeze %parallel_loop3A_247 : memref<1x16x1024xf32, #tpu.memory_space<vmem>> -> memref<16x1024xf32, #tpu.memory_space<vmem>>
        %parallel_loop3A_249 = arith.index_cast %parallel_loop3A_233 : i32 to index
        %parallel_loop3A_250 = arith.index_cast %parallel_loop3A_237 : i32 to index
        %parallel_loop3A_251 = tpu.vector_load %parallel_loop3A_248[%parallel_loop3A_249, %parallel_loop3A_250] {strides = array<i32>} : memref<16x1024xf32, #tpu.memory_space<vmem>>, vector<16xf32>,
        %parallel_loop3A_252 = arith.subf %parallel_loop3A_244, %parallel_loop3A_251 : vector<16xf32>
        %parallel_loop3A_253 = arith.mulf %parallel_loop3A_252, %parallel_loop3A_252 : vector<16xf32>
        %parallel_loop3A_254 = arith.constant -1.000000e+02 : f32
        %parallel_loop3A_255 = vector.broadcast %parallel_loop3A_254 : f32 to vector<16xf32>
        %parallel_loop3A_256 = arith.cmpf oeq, %parallel_loop3A_251, %parallel_loop3A_255 : vector<16xf32>
        %parallel_loop3A_257 = arith.constant 0.000000e+00 : f32
        %parallel_loop3A_258 = vector.broadcast %parallel_loop3A_257 : f32 to vector<16xf32>
        %parallel_loop3A_259 = arith.select %parallel_loop3A_256, %parallel_loop3A_258, %parallel_loop3A_253 : vector<16xi1>, vector<16xf32>
        %parallel_loop3A_260 = vector.bitcast %parallel_loop3A_259 : vector<16xf32> to vector<16xi32>
        %parallel_loop3A_261 = arith.constant 16 : i32
        %parallel_loop3A_262 = vector.broadcast %parallel_loop3A_261 : i32 to vector<16xi32>
        %parallel_loop3A_263 = arith.shrui %parallel_loop3A_260, %parallel_loop3A_262 : vector<16xi32>
        tpu.vector_store_idx %arg7[%parallel_loop3A_263], %broadcast_in_dim3A_114 {add = true} : memref<32768xi32, #tpu.memory_space<vmem>>[vector<16xi32>], vector<16xi32>,
      } {sc.loop_unroll_factor = 8 : i64, sc.parallel_access}
      %add3A_171 = arith.constant 2 : i32
      %add3A_172 = arith.addi %add3A_125, %add3A_171 : i32
      %lt3A_173 = arith.constant 32 : i32
      %lt3A_174 = arith.cmpi slt, %add3A_172, %lt3A_173 : i32
      %convert_element_type3A = arith.extui %lt3A_174 : i1 to i32
      %cond3A = arith.constant 0 : i32
      %cond3A_175 = arith.cmpi ne, %convert_element_type3A, %cond3A : i32
      scf.if %cond3A_175 {
        %add3A_231 = arith.constant 2 : i32
        %add3A_232 = arith.addi %add3A_125, %add3A_231 : i32
        %mul3A_233 = arith.constant 16 : i32
        %mul3A_234 = arith.muli %add3A_232, %mul3A_233 : i32
        %add3A_235 = arith.addi %mul3A_32, %mul3A_234 : i32
        %dma_start3A_236 = arith.constant 0 : i32
        %dma_start3A_237 = arith.constant 0 : i32
        %dma_start3A_238 = arith.constant 0 : i32
        %dma_start3A_239 = arith.constant 0 : i32
        %dma_start3A_240 = arith.constant 0 : i32
        %dma_start3A_241 = tpu.memref_slice %arg5[%dma_start3A_236, %dma_start3A_239, %dma_start3A_240] : memref<2x16x1024xf32, #tpu.memory_space<vmem>> -> memref<1x16x1024xf32, #tpu.memory_space<vmem>>
        %dma_start3A_242 = tpu.memref_squeeze %dma_start3A_241 : memref<1x16x1024xf32, #tpu.memory_space<vmem>> -> memref<16x1024xf32, #tpu.memory_space<vmem>>
        %dma_start3A_243 = arith.constant 0 : i32
        %dma_start3A_244 = tpu.memref_slice %arg2[%select_n3A, %add3A_235, %dma_start3A_243] : memref<4x4096x1024xf32, #tpu.memory_space<hbm>> -> memref<1x16x1024xf32, #tpu.memory_space<hbm>>
        %dma_start3A_245 = tpu.memref_squeeze %dma_start3A_244 : memref<1x16x1024xf32, #tpu.memory_space<hbm>> -> memref<16x1024xf32, #tpu.memory_space<hbm>>
        %dma_start3A_246 = tpu.memref_slice %arg8[%dma_start3A_237, %dma_start3A_238] : memref<2x2x!tpu.dma_semaphore, #tpu.memory_space<semaphore_mem>> -> memref<1x1x!tpu.dma_semaphore, #tpu.memory_space<semaphore_mem>>
        %dma_start3A_247 = tpu.memref_squeeze %dma_start3A_246 : memref<1x1x!tpu.dma_semaphore, #tpu.memory_space<semaphore_mem>> -> memref<!tpu.dma_semaphore, #tpu.memory_space<semaphore_mem>>
        %dma_start3A_248 = arith.constant 0 : i32
        %dma_start3A_249 = arith.constant 0 : i32
        %dma_start3A_250 = tpu.memref_slice %arg5[%dma_start3A_236, %dma_start3A_248, %dma_start3A_249] : memref<2x16x1024xf32, #tpu.memory_space<vmem>> -> memref<1x16x1024xf32, #tpu.memory_space<vmem>>
        %dma_start3A_251 = tpu.memref_squeeze %dma_start3A_250 : memref<1x16x1024xf32, #tpu.memory_space<vmem>> -> memref<16x1024xf32, #tpu.memory_space<vmem>>
        %dma_start3A_252 = arith.constant 0 : i32
        %dma_start3A_253 = tpu.memref_slice %arg2[%select_n3A, %add3A_235, %dma_start3A_252] : memref<4x4096x1024xf32, #tpu.memory_space<hbm>> -> memref<1x16x1024xf32, #tpu.memory_space<hbm>>
        %dma_start3A_254 = tpu.memref_squeeze %dma_start3A_253 : memref<1x16x1024xf32, #tpu.memory_space<hbm>> -> memref<16x1024xf32, #tpu.memory_space<hbm>>
        tpu.enqueue_dma source(%dma_start3A_254 : memref<16x1024xf32, #tpu.memory_space<hbm>>) target(%dma_start3A_251 : memref<16x1024xf32, #tpu.memory_space<vmem>>) target_semaphore(%dma_start3A_247 : memref<!tpu.dma_semaphore, #tpu.memory_space<semaphore_mem>>)
        %dma_start3A_255 = arith.constant 0 : i32
        %dma_start3A_256 = arith.constant 0 : i32
        %dma_start3A_257 = arith.constant 1 : i32
        %dma_start3A_258 = arith.constant 0 : i32
        %dma_start3A_259 = arith.constant 0 : i32
        %dma_start3A_260 = tpu.memref_slice %arg6[%dma_start3A_255, %dma_start3A_258, %dma_start3A_259] : memref<2x16x1024xf32, #tpu.memory_space<vmem>> -> memref<1x16x1024xf32, #tpu.memory_space<vmem>>
        %dma_start3A_261 = tpu.memref_squeeze %dma_start3A_260 : memref<1x16x1024xf32, #tpu.memory_space<vmem>> -> memref<16x1024xf32, #tpu.memory_space<vmem>>
        %dma_start3A_262 = arith.constant 0 : i32
        %dma_start3A_263 = tpu.memref_slice %arg3[%select_n3A, %add3A_235, %dma_start3A_262] : memref<4x4096x1024xf32, #tpu.memory_space<hbm>> -> memref<1x16x1024xf32, #tpu.memory_space<hbm>>
        %dma_start3A_264 = tpu.memref_squeeze %dma_start3A_263 : memref<1x16x1024xf32, #tpu.memory_space<hbm>> -> memref<16x1024xf32, #tpu.memory_space<hbm>>
        %dma_start3A_265 = tpu.memref_slice %arg8[%dma_start3A_256, %dma_start3A_257] : memref<2x2x!tpu.dma_semaphore, #tpu.memory_space<semaphore_mem>> -> memref<1x1x!tpu.dma_semaphore, #tpu.memory_space<semaphore_mem>>
        %dma_start3A_266 = tpu.memref_squeeze %dma_start3A_265 : memref<1x1x!tpu.dma_semaphore, #tpu.memory_space<semaphore_mem>> -> memref<!tpu.dma_semaphore, #tpu.memory_space<semaphore_mem>>
        %dma_start3A_267 = arith.constant 0 : i32
        %dma_start3A_268 = arith.constant 0 : i32
        %dma_start3A_269 = tpu.memref_slice %arg6[%dma_start3A_255, %dma_start3A_267, %dma_start3A_268] : memref<2x16x1024xf32, #tpu.memory_space<vmem>> -> memref<1x16x1024xf32, #tpu.memory_space<vmem>>
        %dma_start3A_270 = tpu.memref_squeeze %dma_start3A_269 : memref<1x16x1024xf32, #tpu.memory_space<vmem>> -> memref<16x1024xf32, #tpu.memory_space<vmem>>
        %dma_start3A_271 = arith.constant 0 : i32
        %dma_start3A_272 = tpu.memref_slice %arg3[%select_n3A, %add3A_235, %dma_start3A_271] : memref<4x4096x1024xf32, #tpu.memory_space<hbm>> -> memref<1x16x1024xf32, #tpu.memory_space<hbm>>
        %dma_start3A_273 = tpu.memref_squeeze %dma_start3A_272 : memref<1x16x1024xf32, #tpu.memory_space<hbm>> -> memref<16x1024xf32, #tpu.memory_space<hbm>>
        tpu.enqueue_dma source(%dma_start3A_273 : memref<16x1024xf32, #tpu.memory_space<hbm>>) target(%dma_start3A_270 : memref<16x1024xf32, #tpu.memory_space<vmem>>) target_semaphore(%dma_start3A_266 : memref<!tpu.dma_semaphore, #tpu.memory_space<semaphore_mem>>)
      } else {
      }
      %add3A_176 = arith.constant 1 : i32
      %add3A_177 = arith.addi %add3A_123, %add3A_176 : i32
      %mul3A_178 = arith.constant 16 : i32
      %mul3A_179 = arith.muli %add3A_177, %mul3A_178 : i32
      %add3A_180 = arith.addi %mul3A_32, %mul3A_179 : i32
      %dma_wait3A_181 = arith.constant 1 : i32
      %dma_wait3A_182 = arith.constant 1 : i32
      %dma_wait3A_183 = arith.constant 0 : i32
      %dma_wait3A_184 = arith.constant 0 : i32
      %dma_wait3A_185 = arith.constant 0 : i32
      %dma_wait3A_186 = tpu.memref_slice %arg5[%dma_wait3A_181, %dma_wait3A_184, %dma_wait3A_185] : memref<2x16x1024xf32, #tpu.memory_space<vmem>> -> memref<1x16x1024xf32, #tpu.memory_space<vmem>>
      %dma_wait3A_187 = tpu.memref_squeeze %dma_wait3A_186 : memref<1x16x1024xf32, #tpu.memory_space<vmem>> -> memref<16x1024xf32, #tpu.memory_space<vmem>>
      %dma_wait3A_188 = arith.constant 0 : i32
      %dma_wait3A_189 = tpu.memref_slice %arg2[%select_n3A, %add3A_180, %dma_wait3A_188] : memref<4x4096x1024xf32, #tpu.memory_space<hbm>> -> memref<1x16x1024xf32, #tpu.memory_space<hbm>>
      %dma_wait3A_190 = tpu.memref_squeeze %dma_wait3A_189 : memref<1x16x1024xf32, #tpu.memory_space<hbm>> -> memref<16x1024xf32, #tpu.memory_space<hbm>>
      %dma_wait3A_191 = tpu.memref_slice %arg8[%dma_wait3A_182, %dma_wait3A_183] : memref<2x2x!tpu.dma_semaphore, #tpu.memory_space<semaphore_mem>> -> memref<1x1x!tpu.dma_semaphore, #tpu.memory_space<semaphore_mem>>
      %dma_wait3A_192 = tpu.memref_squeeze %dma_wait3A_191 : memref<1x1x!tpu.dma_semaphore, #tpu.memory_space<semaphore_mem>> -> memref<!tpu.dma_semaphore, #tpu.memory_space<semaphore_mem>>
      %dma_wait3A_193 = arith.constant 0 : i32
      %dma_wait3A_194 = arith.constant 0 : i32
      %dma_wait3A_195 = tpu.memref_slice %arg5[%dma_wait3A_181, %dma_wait3A_193, %dma_wait3A_194] : memref<2x16x1024xf32, #tpu.memory_space<vmem>> -> memref<1x16x1024xf32, #tpu.memory_space<vmem>>
      %dma_wait3A_196 = tpu.memref_squeeze %dma_wait3A_195 : memref<1x16x1024xf32, #tpu.memory_space<vmem>> -> memref<16x1024xf32, #tpu.memory_space<vmem>>
      %dma_wait3A_197 = arith.constant 0 : i32
      %dma_wait3A_198 = tpu.memref_slice %arg2[%select_n3A, %add3A_180, %dma_wait3A_197] : memref<4x4096x1024xf32, #tpu.memory_space<hbm>> -> memref<1x16x1024xf32, #tpu.memory_space<hbm>>
      %dma_wait3A_199 = tpu.memref_squeeze %dma_wait3A_198 : memref<1x16x1024xf32, #tpu.memory_space<hbm>> -> memref<16x1024xf32, #tpu.memory_space<hbm>>
      tpu.wait_dma2 semaphore(%dma_wait3A_192 : memref<!tpu.dma_semaphore, #tpu.memory_space<semaphore_mem>>) src(%dma_wait3A_199 : memref<16x1024xf32, #tpu.memory_space<hbm>>) dst(%dma_wait3A_196 : memref<16x1024xf32, #tpu.memory_space<vmem>>)
      %dma_wait3A_200 = arith.constant 1 : i32
      %dma_wait3A_201 = arith.constant 1 : i32
      %dma_wait3A_202 = arith.constant 1 : i32
      %dma_wait3A_203 = arith.constant 0 : i32
      %dma_wait3A_204 = arith.constant 0 : i32
      %dma_wait3A_205 = tpu.memref_slice %arg6[%dma_wait3A_200, %dma_wait3A_203, %dma_wait3A_204] : memref<2x16x1024xf32, #tpu.memory_space<vmem>> -> memref<1x16x1024xf32, #tpu.memory_space<vmem>>
      %dma_wait3A_206 = tpu.memref_squeeze %dma_wait3A_205 : memref<1x16x1024xf32, #tpu.memory_space<vmem>> -> memref<16x1024xf32, #tpu.memory_space<vmem>>
      %dma_wait3A_207 = arith.constant 0 : i32
      %dma_wait3A_208 = tpu.memref_slice %arg3[%select_n3A, %add3A_180, %dma_wait3A_207] : memref<4x4096x1024xf32, #tpu.memory_space<hbm>> -> memref<1x16x1024xf32, #tpu.memory_space<hbm>>
      %dma_wait3A_209 = tpu.memref_squeeze %dma_wait3A_208 : memref<1x16x1024xf32, #tpu.memory_space<hbm>> -> memref<16x1024xf32, #tpu.memory_space<hbm>>
      %dma_wait3A_210 = tpu.memref_slice %arg8[%dma_wait3A_201, %dma_wait3A_202] : memref<2x2x!tpu.dma_semaphore, #tpu.memory_space<semaphore_mem>> -> memref<1x1x!tpu.dma_semaphore, #tpu.memory_space<semaphore_mem>>
      %dma_wait3A_211 = tpu.memref_squeeze %dma_wait3A_210 : memref<1x1x!tpu.dma_semaphore, #tpu.memory_space<semaphore_mem>> -> memref<!tpu.dma_semaphore, #tpu.memory_space<semaphore_mem>>
      %dma_wait3A_212 = arith.constant 0 : i32
      %dma_wait3A_213 = arith.constant 0 : i32
      %dma_wait3A_214 = tpu.memref_slice %arg6[%dma_wait3A_200, %dma_wait3A_212, %dma_wait3A_213] : memref<2x16x1024xf32, #tpu.memory_space<vmem>> -> memref<1x16x1024xf32, #tpu.memory_space<vmem>>
      %dma_wait3A_215 = tpu.memref_squeeze %dma_wait3A_214 : memref<1x16x1024xf32, #tpu.memory_space<vmem>> -> memref<16x1024xf32, #tpu.memory_space<vmem>>
      %dma_wait3A_216 = arith.constant 0 : i32
      %dma_wait3A_217 = tpu.memref_slice %arg3[%select_n3A, %add3A_180, %dma_wait3A_216] : memref<4x4096x1024xf32, #tpu.memory_space<hbm>> -> memref<1x16x1024xf32, #tpu.memory_space<hbm>>
      %dma_wait3A_218 = tpu.memref_squeeze %dma_wait3A_217 : memref<1x16x1024xf32, #tpu.memory_space<hbm>> -> memref<16x1024xf32, #tpu.memory_space<hbm>>
      tpu.wait_dma2 semaphore(%dma_wait3A_211 : memref<!tpu.dma_semaphore, #tpu.memory_space<semaphore_mem>>) src(%dma_wait3A_218 : memref<16x1024xf32, #tpu.memory_space<hbm>>) dst(%dma_wait3A_215 : memref<16x1024xf32, #tpu.memory_space<vmem>>)
      %parallel_loop3A_219 = arith.constant 0 : i32
      %parallel_loop3A_220 = arith.constant 1024 : i32
      %parallel_loop3A_221 = arith.constant 1 : i32
      %parallel_loop3A_222 = arith.constant 1 : i32
      %parallel_loop3A_223 = arith.constant 1 : i32
      scf.for %parallel_loop3A_231 = %parallel_loop3A_219 to %parallel_loop3A_220 step %parallel_loop3A_221  : i32 {
        %parallel_loop3A_232 = arith.constant 6 : i32
        %parallel_loop3A_233 = arith.shrui %parallel_loop3A_231, %parallel_loop3A_232 : i32
        %parallel_loop3A_234 = arith.constant 63 : i32
        %parallel_loop3A_235 = arith.andi %parallel_loop3A_231, %parallel_loop3A_234 : i32
        %parallel_loop3A_236 = arith.constant 4 : i32
        %parallel_loop3A_237 = arith.shli %parallel_loop3A_235, %parallel_loop3A_236 : i32
        %parallel_loop3A_238 = arith.constant 0 : i32
        %parallel_loop3A_239 = arith.constant 0 : i32
        %parallel_loop3A_240 = tpu.memref_slice %arg5[%parallel_loop3A_222, %parallel_loop3A_238, %parallel_loop3A_239] : memref<2x16x1024xf32, #tpu.memory_space<vmem>> -> memref<1x16x1024xf32, #tpu.memory_space<vmem>>
        %parallel_loop3A_241 = tpu.memref_squeeze %parallel_loop3A_240 : memref<1x16x1024xf32, #tpu.memory_space<vmem>> -> memref<16x1024xf32, #tpu.memory_space<vmem>>
        %parallel_loop3A_242 = arith.index_cast %parallel_loop3A_233 : i32 to index
        %parallel_loop3A_243 = arith.index_cast %parallel_loop3A_237 : i32 to index
        %parallel_loop3A_244 = tpu.vector_load %parallel_loop3A_241[%parallel_loop3A_242, %parallel_loop3A_243] {strides = array<i32>} : memref<16x1024xf32, #tpu.memory_space<vmem>>, vector<16xf32>,
        %parallel_loop3A_245 = arith.constant 0 : i32
        %parallel_loop3A_246 = arith.constant 0 : i32
        %parallel_loop3A_247 = tpu.memref_slice %arg6[%parallel_loop3A_223, %parallel_loop3A_245, %parallel_loop3A_246] : memref<2x16x1024xf32, #tpu.memory_space<vmem>> -> memref<1x16x1024xf32, #tpu.memory_space<vmem>>
        %parallel_loop3A_248 = tpu.memref_squeeze %parallel_loop3A_247 : memref<1x16x1024xf32, #tpu.memory_space<vmem>> -> memref<16x1024xf32, #tpu.memory_space<vmem>>
        %parallel_loop3A_249 = arith.index_cast %parallel_loop3A_233 : i32 to index
        %parallel_loop3A_250 = arith.index_cast %parallel_loop3A_237 : i32 to index
        %parallel_loop3A_251 = tpu.vector_load %parallel_loop3A_248[%parallel_loop3A_249, %parallel_loop3A_250] {strides = array<i32>} : memref<16x1024xf32, #tpu.memory_space<vmem>>, vector<16xf32>,
        %parallel_loop3A_252 = arith.subf %parallel_loop3A_244, %parallel_loop3A_251 : vector<16xf32>
        %parallel_loop3A_253 = arith.mulf %parallel_loop3A_252, %parallel_loop3A_252 : vector<16xf32>
        %parallel_loop3A_254 = arith.constant -1.000000e+02 : f32
        %parallel_loop3A_255 = vector.broadcast %parallel_loop3A_254 : f32 to vector<16xf32>
        %parallel_loop3A_256 = arith.cmpf oeq, %parallel_loop3A_251, %parallel_loop3A_255 : vector<16xf32>
        %parallel_loop3A_257 = arith.constant 0.000000e+00 : f32
        %parallel_loop3A_258 = vector.broadcast %parallel_loop3A_257 : f32 to vector<16xf32>
        %parallel_loop3A_259 = arith.select %parallel_loop3A_256, %parallel_loop3A_258, %parallel_loop3A_253 : vector<16xi1>, vector<16xf32>
        %parallel_loop3A_260 = vector.bitcast %parallel_loop3A_259 : vector<16xf32> to vector<16xi32>
        %parallel_loop3A_261 = arith.constant 16 : i32
        %parallel_loop3A_262 = vector.broadcast %parallel_loop3A_261 : i32 to vector<16xi32>
        %parallel_loop3A_263 = arith.shrui %parallel_loop3A_260, %parallel_loop3A_262 : vector<16xi32>
        tpu.vector_store_idx %arg7[%parallel_loop3A_263], %broadcast_in_dim3A_114 {add = true} : memref<32768xi32, #tpu.memory_space<vmem>>[vector<16xi32>], vector<16xi32>,
      } {sc.loop_unroll_factor = 8 : i64, sc.parallel_access}
      %add3A_224 = arith.constant 2 : i32
      %add3A_225 = arith.addi %add3A_177, %add3A_224 : i32
      %lt3A_226 = arith.constant 32 : i32
      %lt3A_227 = arith.cmpi slt, %add3A_225, %lt3A_226 : i32
      %convert_element_type3A_228 = arith.extui %lt3A_227 : i1 to i32
      %cond3A_229 = arith.constant 0 : i32
      %cond3A_230 = arith.cmpi ne, %convert_element_type3A_228, %cond3A_229 : i32
      scf.if %cond3A_230 {
        %add3A_231 = arith.constant 2 : i32
        %add3A_232 = arith.addi %add3A_177, %add3A_231 : i32
        %mul3A_233 = arith.constant 16 : i32
        %mul3A_234 = arith.muli %add3A_232, %mul3A_233 : i32
        %add3A_235 = arith.addi %mul3A_32, %mul3A_234 : i32
        %dma_start3A_236 = arith.constant 1 : i32
        %dma_start3A_237 = arith.constant 1 : i32
        %dma_start3A_238 = arith.constant 0 : i32
        %dma_start3A_239 = arith.constant 0 : i32
        %dma_start3A_240 = arith.constant 0 : i32
        %dma_start3A_241 = tpu.memref_slice %arg5[%dma_start3A_236, %dma_start3A_239, %dma_start3A_240] : memref<2x16x1024xf32, #tpu.memory_space<vmem>> -> memref<1x16x1024xf32, #tpu.memory_space<vmem>>
        %dma_start3A_242 = tpu.memref_squeeze %dma_start3A_241 : memref<1x16x1024xf32, #tpu.memory_space<vmem>> -> memref<16x1024xf32, #tpu.memory_space<vmem>>
        %dma_start3A_243 = arith.constant 0 : i32
        %dma_start3A_244 = tpu.memref_slice %arg2[%select_n3A, %add3A_235, %dma_start3A_243] : memref<4x4096x1024xf32, #tpu.memory_space<hbm>> -> memref<1x16x1024xf32, #tpu.memory_space<hbm>>
        %dma_start3A_245 = tpu.memref_squeeze %dma_start3A_244 : memref<1x16x1024xf32, #tpu.memory_space<hbm>> -> memref<16x1024xf32, #tpu.memory_space<hbm>>
        %dma_start3A_246 = tpu.memref_slice %arg8[%dma_start3A_237, %dma_start3A_238] : memref<2x2x!tpu.dma_semaphore, #tpu.memory_space<semaphore_mem>> -> memref<1x1x!tpu.dma_semaphore, #tpu.memory_space<semaphore_mem>>
        %dma_start3A_247 = tpu.memref_squeeze %dma_start3A_246 : memref<1x1x!tpu.dma_semaphore, #tpu.memory_space<semaphore_mem>> -> memref<!tpu.dma_semaphore, #tpu.memory_space<semaphore_mem>>
        %dma_start3A_248 = arith.constant 0 : i32
        %dma_start3A_249 = arith.constant 0 : i32
        %dma_start3A_250 = tpu.memref_slice %arg5[%dma_start3A_236, %dma_start3A_248, %dma_start3A_249] : memref<2x16x1024xf32, #tpu.memory_space<vmem>> -> memref<1x16x1024xf32, #tpu.memory_space<vmem>>
        %dma_start3A_251 = tpu.memref_squeeze %dma_start3A_250 : memref<1x16x1024xf32, #tpu.memory_space<vmem>> -> memref<16x1024xf32, #tpu.memory_space<vmem>>
        %dma_start3A_252 = arith.constant 0 : i32
        %dma_start3A_253 = tpu.memref_slice %arg2[%select_n3A, %add3A_235, %dma_start3A_252] : memref<4x4096x1024xf32, #tpu.memory_space<hbm>> -> memref<1x16x1024xf32, #tpu.memory_space<hbm>>
        %dma_start3A_254 = tpu.memref_squeeze %dma_start3A_253 : memref<1x16x1024xf32, #tpu.memory_space<hbm>> -> memref<16x1024xf32, #tpu.memory_space<hbm>>
        tpu.enqueue_dma source(%dma_start3A_254 : memref<16x1024xf32, #tpu.memory_space<hbm>>) target(%dma_start3A_251 : memref<16x1024xf32, #tpu.memory_space<vmem>>) target_semaphore(%dma_start3A_247 : memref<!tpu.dma_semaphore, #tpu.memory_space<semaphore_mem>>)
        %dma_start3A_255 = arith.constant 1 : i32
        %dma_start3A_256 = arith.constant 1 : i32
        %dma_start3A_257 = arith.constant 1 : i32
        %dma_start3A_258 = arith.constant 0 : i32
        %dma_start3A_259 = arith.constant 0 : i32
        %dma_start3A_260 = tpu.memref_slice %arg6[%dma_start3A_255, %dma_start3A_258, %dma_start3A_259] : memref<2x16x1024xf32, #tpu.memory_space<vmem>> -> memref<1x16x1024xf32, #tpu.memory_space<vmem>>
        %dma_start3A_261 = tpu.memref_squeeze %dma_start3A_260 : memref<1x16x1024xf32, #tpu.memory_space<vmem>> -> memref<16x1024xf32, #tpu.memory_space<vmem>>
        %dma_start3A_262 = arith.constant 0 : i32
        %dma_start3A_263 = tpu.memref_slice %arg3[%select_n3A, %add3A_235, %dma_start3A_262] : memref<4x4096x1024xf32, #tpu.memory_space<hbm>> -> memref<1x16x1024xf32, #tpu.memory_space<hbm>>
        %dma_start3A_264 = tpu.memref_squeeze %dma_start3A_263 : memref<1x16x1024xf32, #tpu.memory_space<hbm>> -> memref<16x1024xf32, #tpu.memory_space<hbm>>
        %dma_start3A_265 = tpu.memref_slice %arg8[%dma_start3A_256, %dma_start3A_257] : memref<2x2x!tpu.dma_semaphore, #tpu.memory_space<semaphore_mem>> -> memref<1x1x!tpu.dma_semaphore, #tpu.memory_space<semaphore_mem>>
        %dma_start3A_266 = tpu.memref_squeeze %dma_start3A_265 : memref<1x1x!tpu.dma_semaphore, #tpu.memory_space<semaphore_mem>> -> memref<!tpu.dma_semaphore, #tpu.memory_space<semaphore_mem>>
        %dma_start3A_267 = arith.constant 0 : i32
        %dma_start3A_268 = arith.constant 0 : i32
        %dma_start3A_269 = tpu.memref_slice %arg6[%dma_start3A_255, %dma_start3A_267, %dma_start3A_268] : memref<2x16x1024xf32, #tpu.memory_space<vmem>> -> memref<1x16x1024xf32, #tpu.memory_space<vmem>>
        %dma_start3A_270 = tpu.memref_squeeze %dma_start3A_269 : memref<1x16x1024xf32, #tpu.memory_space<vmem>> -> memref<16x1024xf32, #tpu.memory_space<vmem>>
        %dma_start3A_271 = arith.constant 0 : i32
        %dma_start3A_272 = tpu.memref_slice %arg3[%select_n3A, %add3A_235, %dma_start3A_271] : memref<4x4096x1024xf32, #tpu.memory_space<hbm>> -> memref<1x16x1024xf32, #tpu.memory_space<hbm>>
        %dma_start3A_273 = tpu.memref_squeeze %dma_start3A_272 : memref<1x16x1024xf32, #tpu.memory_space<hbm>> -> memref<16x1024xf32, #tpu.memory_space<hbm>>
        tpu.enqueue_dma source(%dma_start3A_273 : memref<16x1024xf32, #tpu.memory_space<hbm>>) target(%dma_start3A_270 : memref<16x1024xf32, #tpu.memory_space<vmem>>) target_semaphore(%dma_start3A_266 : memref<!tpu.dma_semaphore, #tpu.memory_space<semaphore_mem>>)
      } else {
      }
    }
    %scan3A_118 = arith.constant 16 : i32
    "tpu.region"() ({
      %run_scoped3A = tpu.sem_alloc : memref<!tpu.dma_semaphore, #tpu.memory_space<semaphore_mem>>
      %dma_start3A_119 = arith.constant 0 : i32
      %dma_start3A_120 = tpu.memref_slice %arg4[%add3A, %dma_start3A_119] : memref<32x32768xi32, #tpu.memory_space<hbm>> -> memref<1x32768xi32, #tpu.memory_space<hbm>>
      %dma_start3A_121 = tpu.memref_squeeze %dma_start3A_120 : memref<1x32768xi32, #tpu.memory_space<hbm>> -> memref<32768xi32, #tpu.memory_space<hbm>>
      %dma_start3A_122 = arith.constant 0 : i32
      %dma_start3A_123 = tpu.memref_slice %arg4[%add3A, %dma_start3A_122] : memref<32x32768xi32, #tpu.memory_space<hbm>> -> memref<1x32768xi32, #tpu.memory_space<hbm>>
      %dma_start3A_124 = tpu.memref_squeeze %dma_start3A_123 : memref<1x32768xi32, #tpu.memory_space<hbm>> -> memref<32768xi32, #tpu.memory_space<hbm>>
      tpu.enqueue_dma source(%arg7 : memref<32768xi32, #tpu.memory_space<vmem>>) target(%dma_start3A_124 : memref<32768xi32, #tpu.memory_space<hbm>>) target_semaphore(%run_scoped3A : memref<!tpu.dma_semaphore, #tpu.memory_space<semaphore_mem>>)
      %dma_wait3A = arith.constant 0 : i32
      %dma_wait3A_125 = tpu.memref_slice %arg4[%add3A, %dma_wait3A] : memref<32x32768xi32, #tpu.memory_space<hbm>> -> memref<1x32768xi32, #tpu.memory_space<hbm>>
      %dma_wait3A_126 = tpu.memref_squeeze %dma_wait3A_125 : memref<1x32768xi32, #tpu.memory_space<hbm>> -> memref<32768xi32, #tpu.memory_space<hbm>>
      %dma_wait3A_127 = arith.constant 0 : i32
      %dma_wait3A_128 = tpu.memref_slice %arg4[%add3A, %dma_wait3A_127] : memref<32x32768xi32, #tpu.memory_space<hbm>> -> memref<1x32768xi32, #tpu.memory_space<hbm>>
      %dma_wait3A_129 = tpu.memref_squeeze %dma_wait3A_128 : memref<1x32768xi32, #tpu.memory_space<hbm>> -> memref<32768xi32, #tpu.memory_space<hbm>>
      tpu.wait_dma2 semaphore(%run_scoped3A : memref<!tpu.dma_semaphore, #tpu.memory_space<semaphore_mem>>) src(%arg7 : memref<32768xi32, #tpu.memory_space<vmem>>) dst(%dma_wait3A_129 : memref<32768xi32, #tpu.memory_space<hbm>>)
      tpu.yield
    }) : () -> ()
    return
  }
}

</mosaic_0001>

<sc_bundles>
// kernel: _sc_hist.3.cloned.1.call-start
scs
__scs_entry_jumppad:
0x0: {  	(pc) =	sbr.rel $0x88, $3  }
0x1: {  	(tag) =	ssettag $0x0;
	lr =	simm.s32 $0x1  }
0x2: {  	[smem:$0x3F9F] =	sst lr;
	_ =	strace $0xD0000000  }
0x3: {  	_ = 	snop  }
0x4: {  	_ = 	snop  }
0x5: {  	_ = 	snop  }
0x6: {  	_ = 	snop  }
0x7: {  	_ = 	snop  }
__scs_overlays_trampoline_lowered:
0x8: {  	[smem:$0x3FAE] =	sst s0  }
0x9: {  	[smem:$0x3FAF] =	sst s1  }
0xa: {  	[smem:$0x3FB0] =	sst s2  }
0xb: {  	[smem:$0x3FB1] =	sst s3  }
0xc: {  	[smem:$0x3FB2] =	sst s4  }
0xd: {  	[smem:$0x3FB3] =	sst s5  }
0xe: {  	[smem:$0x3FB4] =	sst s6  }
0xf: {  	[smem:$0x3FB5] =	sst s7  }
0x10: {  	[smem:$0x3FB6] =	sst s8  }
0x11: {  	[smem:$0x3FB7] =	sst s9;
	s0 =	simm.s32 @!p0 $0x0  }
0x12: {  	s1 =	sld [smem:$0x3F9D];
	s0 =	simm.s32 @p0 $0x1  }
0x13: {  	[smem:$0x3FB8] =	sst s0;
	s0 =	simm.s32 @!p1 $0x0  }
0x14: {  	s2 =	sld [smem:$0x3F9C];
	s0 =	simm.s32 @p1 $0x1  }
0x15: {  	[smem:$0x3FB9] =	sst s0;
	s0 =	simm.s32 @!p2 $0x0  }
0x16: {  	s3 =	sld [smem:$0x3FDB];
	s0 =	simm.s32 @p2 $0x1  }
0x17: {  	s4 =	simm.s32 $0x1BF5;
	[smem:$0x3FBB] =	sst s0  }
0x18: {  	s0 =	sld [smem:$0x3F9E];
	_ =	swait.ge [sflag:s4], $0x0  }
0x19: {  	s7 =	sld [smem:$0x3F9F]  }
0x1a: {  	s8 =	sadd.s32 $0xFFFFE003, lr  }
0x1b: {  	s9 =	sadd.s32 $0xFFFFFEF7, lr;
	s5 =	simm.s32 $0xFFFFFFFF;
	p2 =	slt.u32 s8, $0xFFFFF086  }
0x1c: {  	p1 =	slt.u32 s9, $0xF7A;
	s5 =	simm.s32 @!p2 $0x0  }
0x1d: {  	s5 =	simm.s32 @p1 $0x1;
	p0 =	seq.s32 s7, s2  }
0x1e: {  	s7 =	smul.u32 @!p0 $0xF7A, s2;
	p2 =	seq.s32 @!p0 s5, $0x0  }
0x1f: {  	s9 =	smul.u32 $0xF7A, s1;
	s8 =	simm.s32 @!p0 $0x1BF5;
	p2 =	por !p2, p0  }
0x20: {  	[sflag:s8] =	ssyncset.s32 @!p0 $0xFFFFF086;
	s6 =	sadd.s32 @!p0 s3, s7;
	s7 =	simm.s32 @!p0 $0x108  }
0x21: {  	s3 =	sadd.s32 s3, s9;
	s6 =	sadd.s32 @!p0 $0x88, s6;
	s7 =	simm.s32 @p2 $0x1082  }
0x22: {  	[simem:s7], [sflag:s8] =	dma.local @!p0 [hbm:s6], $0xF7A  }
0x23: {  	s9 =	sor.u32 $0xD0000000, s2;
	s6 =	simm.s32 $0x108;
	_ =	swait.ge @!p0 [sflag:s8], $0x0  }
0x24: {  	s3 =	sadd.s32 $0x88, s3;
	s6 =	simm.s32 @!p1 $0x1082;
	[sflag:s4] =	ssyncset.s32 $0xFFFFF086  }
0x25: {  	[simem:s6], [sflag:s4] =	dma.local [hbm:s3], $0xF7A  }
0x26: {  	[smem:$0x3F9F] =	sst s1;
	(tag) =	ssettag s2;
	_ =	strace s9  }
0x27: {  	s1 =	sld [smem:$0x3FAF]  }
0x28: {  	s2 =	sld [smem:$0x3FB0]  }
0x29: {  	s4 =	sld [smem:$0x3FB2]  }
0x2a: {  	p0 =	seq.s32 s5, $0x0;
	s5 =	sld [smem:$0x3FB3]  }
0x2b: {  	s6 =	sld [smem:$0x3FB4]  }
0x2c: {  	s7 =	sld [smem:$0x3FB5]  }
0x2d: {  	s3 =	simm.s32 $0x108;
	s8 =	sld [smem:$0x3FB6]  }
0x2e: {  	s3 =	simm.s32 @!p0 $0x1082;
	s9 =	sld [smem:$0x3FB7]  }
0x2f: {  	lr =	sadd.s32 s0, s3;
	s0 =	sld [smem:$0x3FAE]  }
0x30: {  	s3 =	sld [smem:$0x3FB1]  }
0x31: {  	[smem:$0x3FBA] =	sst s10  }
0x32: {  	s10 =	sld [smem:$0x3FB8];
	_ =	sdelay $0x3  }
0x33: {  	p0 =	seq.s32 s10, $0x1;
	s10 =	sld [smem:$0x3FBA];
	_ =	sdelay $0x3  }
0x34: {  	[smem:$0x3FBA] =	sst s10  }
0x35: {  	s10 =	sld [smem:$0x3FB9];
	_ =	sdelay $0x3  }
0x36: {  	p1 =	seq.s32 s10, $0x1;
	s10 =	sld [smem:$0x3FBA];
	_ =	sdelay $0x3  }
0x37: {  	[smem:$0x3FBA] =	sst s10  }
0x38: {  	s10 =	sld [smem:$0x3FBB]  }
0x39: {  	_ = 	snop;
	(pc) =	sbr.ind lr, $3  }
0x3a: {  	_ = 	snop  }
0x3b: {  	_ = 	snop  }
0x3c: {  	p2 =	seq.s32 s10, $0x1;
	s10 =	sld [smem:$0x3FBA]  }
0x3d: {  	_ =	shalt  }
0x3e: {  	_ =	shalt  }
0x3f: {  	_ =	shalt  }
0x40: {  	_ =	shalt  }
0x41: {  	_ =	shalt  }
0x42: {  	_ =	shalt  }
0x43: {  	_ =	shalt  }
0x44: {  	_ =	shalt  }
0x45: {  	_ =	shalt  }
0x46: {  	_ =	shalt  }
0x47: {  	_ =	shalt  }
0x48: {  	_ =	shalt  }
0x49: {  	_ =	shalt  }
0x4a: {  	_ =	shalt  }
0x4b: {  	_ =	shalt  }
0x4c: {  	_ =	shalt  }
0x4d: {  	_ =	shalt  }
0x4e: {  	_ =	shalt  }
0x4f: {  	_ =	shalt  }
0x50: {  	_ =	shalt  }
0x51: {  	_ =	shalt  }
0x52: {  	_ =	shalt  }
0x53: {  	_ =	shalt  }
0x54: {  	_ =	shalt  }
0x55: {  	_ =	shalt  }
0x56: {  	_ =	shalt  }
0x57: {  	_ =	shalt  }
0x58: {  	_ =	shalt  }
0x59: {  	_ =	shalt  }
0x5a: {  	_ =	shalt  }
0x5b: {  	_ =	shalt  }
0x5c: {  	_ =	shalt  }
0x5d: {  	_ =	shalt  }
0x5e: {  	_ =	shalt  }
0x5f: {  	_ =	shalt  }
0x60: {  	_ =	shalt  }
0x61: {  	_ =	shalt  }
0x62: {  	_ =	shalt  }
0x63: {  	_ =	shalt  }
0x64: {  	_ =	shalt  }
0x65: {  	_ =	shalt  }
0x66: {  	_ =	shalt  }
0x67: {  	_ =	shalt  }
0x68: {  	_ =	shalt  }
0x69: {  	_ =	shalt  }
0x6a: {  	_ =	shalt  }
0x6b: {  	_ =	shalt  }
0x6c: {  	_ =	shalt  }
0x6d: {  	_ =	shalt  }
0x6e: {  	_ =	shalt  }
0x6f: {  	_ =	shalt  }
0x70: {  	_ =	shalt  }
0x71: {  	_ =	shalt  }
0x72: {  	_ =	shalt  }
0x73: {  	_ =	shalt  }
0x74: {  	_ =	shalt  }
0x75: {  	_ =	shalt  }
0x76: {  	_ =	shalt  }
0x77: {  	_ =	shalt  }
0x78: {  	_ =	shalt  }
0x79: {  	_ =	shalt  }
0x7a: {  	_ =	shalt  }
0x7b: {  	_ =	shalt  }
0x7c: {  	_ =	shalt  }
0x7d: {  	_ =	shalt  }
0x7e: {  	_ =	shalt  }
0x7f: {  	_ =	shalt  }
0x80: {  	_ =	shalt  }
0x81: {  	_ =	shalt  }
0x82: {  	_ =	shalt  }
0x83: {  	_ =	shalt  }
0x84: {  	_ =	shalt  }
0x85: {  	_ =	shalt  }
0x86: {  	_ =	shalt  }
0x87: {  	_ =	shalt  }
.Lfunc_end0:
.L_simem_size_0:
called_computation_lowered:
.L_overlay_start_0:
0x88: {  	s2 =	sld [smem:$0x3FD9]  }
0x89: {  	s3 =	sld [smem:$0x3FFE];
	_ =	sdelay $0x1  }
0x8a: {  	s1 =	srdreg.scid  }
0x8b: {  	s0 =	sand.u32 $0x1, s1  }
0x8c: {  	s18 =	sshll.u32 s0, $0xA;
	s2 =	sadd.s32 s3, s2  }
0x8d: {  	s2 =	sadd.s32 s2, s18  }
0x8e: {  	[smem:$0x3FC6] =	sst s2  }
0x8f: {  	_ = 	snop  }
0x90: {  	s2 =	sld [smem:$0x3FC9]  }
0x91: {  	s19 =	sld [smem:$0x3FC8]  }
0x92: {  	s4 =	sld [smem:$0x3FD0];
	(tm) =	ssettm $0x1  }
0x93: {  	s5 =	sld [smem:$0x3FFB];
	_ =	sdelay $0x3  }
0x94: {  	_ =	strace s5  }
0x95: {  	s5 =	sld [smem:$0x3FFC];
	_ =	sdelay $0x3  }
0x96: {  	_ =	strace s5  }
0x97: {  	s5 =	sld [smem:$0x3FFD];
	_ =	sdelay $0x3  }
0x98: {  	_ =	strace s5  }
0x99: {  	_ =	strace $0x8FFFFFFF  }
0x9a: {  	s20 =	sld [smem:$0x3FDB];
	_ =	sdelay $0x1  }
0x9b: {  	s6 =	simm.s32 $_scs_section_size  }
0x9c: {  	s7 =	simm.s32 $_size__tile_overlayer_lowered;
	s8 =	simm.s32 $_tile_overlayer_lowered  }
0x9d: {  	s23 =	simm.s32 $0x1BFF;
	s22 =	sshll.u32 s8, $0x1;
	s5 =	sadd.s32 s6, s20  }
0x9e: {  	s9 =	simm.s32 $0x0;
	s21 =	sshll.u32 s7, $0x1;
	s7 =	sadd.s32 s22, s5  }
0x9f: {  	[timem:s9], [sflag:s23] =	dma.local [hbm:s7], s21  }
0xa0: {  	_ =	swait.ge [sflag:s23], s21  }
0xa1: {  	s6 =	ssub.s32 $0x0, s21;
	[sflag:s23] =	ssyncset.done $0x0  }
0xa2: {  	[sflag:s23] =	ssyncadd.s32 s6;
	_ =	sdelay $0x1  }
0xa3: {  	s24 =	simm.s32 $0x1B8B  }
0xa4: {  	_ =	swait.ge [sflag:s24], $0x1  }
0xa5: {  	[sflag:s24] =	ssyncset.done $0x0  }
0xa6: {  	s25 =	simm.s32 $0x1B8E;
	[sflag:s24] =	ssyncadd.s32 $0xFFFFFFFF  }
0xa7: {  	s26 =	simm.s32 $execute0_lowered;
	[smem:$0x3FD2] =	sst s25  }
0xa8: {  	s6 =	sshll.u32 s26, $0x1;
	_ =	strace $0x80000046;
	[dreg:$0x1] =	wrdreg $0xFFFFFFFF  }
0xa9: {  	s28 =	simm.s32 $_size_execute0_lowered;
	s5 =	sadd.s32 s5, s6;
	[dreg:$0x0] =	wrdreg $0x0  }
0xaa: {  	s6 =	sshll.u32 s28, $0x1;
	[dreg:$0x2] =	wrdreg s5  }
0xab: {  	[dreg:$0x3] =	wrdreg s6  }
0xac: {  	[dreg:$0x4] =	wrdreg $0xC0  }
0xad: {  	_ =	task [dreg:s9], $0x5FFFF  }
0xae: {  	[dreg:$0x1] =	wrdreg $0xFFFFFFFF  }
0xaf: {  	[dreg:$0x0] =	wrdreg $0x60  }
0xb0: {  	[dreg:$0x2] =	wrdreg s2  }
0xb1: {  	[dreg:$0x3] =	wrdreg s19  }
0xb2: {  	[dreg:$0x4] =	wrdreg s4  }
0xb3: {  	[dreg:$0x5] =	wrdreg $0x9  }
0xb4: {  	_ =	task.clear_ibuf [dreg:s9], $0x6FFFF;
	_ =	strace $0x90000046  }
0xb5: {  	s29 =	simm.s32 $0x9;
	_ =	strace $0x80000048  }
0xb6: {  	_ =	swait.ge [sflag:s29], $0x1  }
0xb7: {  	[sflag:s29] =	ssyncadd.s32 $0xFFFFFFFF  }
0xb8: {  	_ =	strace $0x90000048  }
0xb9: {  	_ =	sfence  }
0xba: {  	s30 =	sld [smem:$0x0];
	_ =	sdelay $0x2  }
0xbb: {  	s31 =	sshll.u32 s1, $0xD;
	s1 =	sshrl.u32 s1, $0x2  }
0xbc: {  	s3 =	sand.u32 $0x4000, s31;
	s1 =	sadd.s32 s1, s30  }
0xbd: {  	s0 =	sor.u32 s3, s0;
	s1 =	sshll.u32 s1, $0x11  }
0xbe: {  	s0 =	sor.u32 s1, s0  }
0xbf: {  	s0 =	sadd.s32 $0x8F2B, s0  }
0xc0: {  	[sflag:s0] =	ssyncadd.remote.s32 $0x1  }
0xc1: {  	_ =	sfence.sel $0xFFFF  }
0xc2: {  	[dreg:$0x0] =	wrdreg $0xFFFFFFFF;
	(pc) =	sbr.abs _section_cstart, $3  }
0xc3: {  	[dreg:$0x1] =	wrdreg $0xFFFFFFFF  }
0xc4: {  	_ =	task.clear_ibuf [dreg:s9], $0x2FFFF;
	_ =	strace $0x9FFFFFFF  }
0xc5: {  	(tm) =	ssettm $0x7FFFFFFF  }
tec
execute0_lowered:
.L_overlay_start_1:
0x0: {  	(tag) =	ssettag $0x1  }
0x1: {  	s1 =	rddreg [dreg:$0x0];
	s2 =	srdreg.scid  }
0x2: {  	s0 =	stileid.u32;
	s3 =	rddreg [dreg:$0x1]  }
0x3: {  	s10 =	rddreg [dreg:$0x2];
	s14 =	simm.s32 $0x4000;
	s15 =	simm.s32 $0xC000  }
0x4: {  	s16 =	simm.s32 $0x1;
	s17 =	simm.s32 $0x2;
	s18 =	simm.s32 $0x10000  }
0x5: {  	s19 =	simm.s32 $0x3;
	s20 =	simm.s32 $0x4;
	s21 =	simm.s32 $0x80  }
0x6: {  	s22 =	simm.s32 $0x400;
	s23 =	simm.s32 $0x5;
	s24 =	simm.s32 $0x0  }
0x7: {  	s2 =	sand.u32 $0x1, s2;
	s4 =	sshll.u32 s0, $0x1;
	s6 =	sshll.u32 s0, $0x14  }
0x8: {  	s12 =	sshll.u32 s0, $0xD;
	s9 =	sor.u32 s2, s4;
	s4 =	simm.s32 $0x0  }
0x9: {  	s6 =	sand.u32 $0xC00000, s6;
	s2 =	ssub.s32 $0x2, s2;
	s12 =	sand.u32 $0x18000, s12  }
0xa: {  	s5 =	sshll.u32 s9, $0x13;
	[smem:$0x7FF] =	sst s4;
	s31 =	sshrl.u32 s2, $0x1  }
0xb: {  	s13 =	sshll.u32 s9, $0x4;
	s12 =	sadd.s32 s10, s12;
	s5 =	sand.u32 $0x380000, s5  }
.Ltmp0:
0xc: {  	_ =	strace $0x80000047;
	s11 =	sor.u32 s6, s5;
	(pc) =	sbr.rel .LBB2_1-.Ltmp0, $4  }
0xd: {  	s2 =	ssub.s32 s2, s31;
	s13 =	sand.u32 $0x70, s13;
	s6 =	sshrl.u32 s11, $0x3  }
0xe: {  	s9 =	sor.u32 $0x8000, s11;
	s10 =	sor.u32 $0xC000, s11;
	s11 =	sadd.s32 s13, s12  }
0xf: {  	s12 =	smax.u32 s2, $0x1;
	s5 =	sadd.s32 s1, s6;
	s8 =	sor.u32 $0x800, s6  }
0x10: {  	v0 =	vimm.s32 $0x0;
	v1 =	vimm.s32 $0x1;
	s6 =	sadd.s32 s3, s6;
	s7 =	sadd.s32 s1, s8;
	s8 =	sadd.s32 s3, s8  }
.LBB2_10:
0x11: {  	s24 =	sadd.s32 $0x1, s24  }
0x12: {  	p0 =	sne.s32 s24, s12  }
.Ltmp1:
0x13: {  	_ = 	snop;
	(pc) =	sbr.rel @!p0 .LBB2_11-.Ltmp1, $4  }
0x14: {  	[hbm4b:s11+s21] =	stream.strided.scatter [tilespmem:s18], [sflag:$0x5], $0x8000, s22, s21, $0x38;
	[tilespmem:$0x18000] =	vst v63  }
0x15: {  	_ =	swait.ge [sflag:s23], $0x8000  }
0x16: {  	[sflag:s23] =	ssyncset.done $0x0  }
0x17: {  	[sflag:s23] =	ssyncadd.s32 $0xFFFF8000  }
.LBB2_1:
0x18: {  	[tilespmem:s4], [sflag:$0x1] =	stream.linear.gather [hbm4b:s5+s4], $0x4000, $0x38;
	[tilespmem:$0x18000] =	vst v63  }
0x19: {  	s0 =	simm.s32 $0x8000  }
0x1a: {  	[tilespmem:s0], [sflag:$0x2] =	stream.linear.gather [hbm4b:s6+s4], $0x4000, $0x38;
	[tilespmem:$0x18000] =	vst v63  }
0x1b: {  	_ = 	snop  }
0x1c: {  	[tilespmem:s14], [sflag:$0x3] =	stream.linear.gather [hbm4b:s7+s4], $0x4000, $0x38;
	[tilespmem:$0x18000] =	vst v63  }
0x1d: {  	s2 =	simm.s32 $0x10040  }
0x1e: {  	[tilespmem:s15], [sflag:$0x4] =	stream.linear.gather [hbm4b:s8+s4], $0x4000, $0x38;
	[tilespmem:$0x18000] =	vst v63  }
0x1f: {  	[tilespmem:s2+$0xFFFFFFC0] =	vst v0  }
0x20: {  	[tilespmem:s2+$0x30] =	vst v0  }
0x21: {  	[tilespmem:s2+$0x20] =	vst v0  }
0x22: {  	[tilespmem:s2+$0x10] =	vst v0  }
0x23: {  	[tilespmem:s2+$0x0] =	vst v0  }
0x24: {  	[tilespmem:s2+$0xFFFFFFF0] =	vst v0  }
0x25: {  	s25 =	simm.s32 $0x0;
	[tilespmem:s2+$0xFFFFFFE0] =	vst v0  }
.LBB2_2:
0x26: {  	s25 =	sadd.s32 $0x8, s25;
	[tilespmem:s2+$0xFFFFFFD0] =	vst v0;
	s2 =	sadd.s32 $0x80, s2  }
0x27: {  	[tilespmem:s2+$0xFFFFFFC0] =	vst v0;
	p0 =	slt.u32 s25, $0x7F8  }
0x28: {  	[tilespmem:s2+$0x30] =	vst v0  }
.Ltmp2:
0x29: {  	[tilespmem:s2+$0x20] =	vst v0;
	(pc) =	sbr.rel @p0 .LBB2_2-.Ltmp2, $4  }
0x2a: {  	[tilespmem:s2+$0x10] =	vst v0  }
0x2b: {  	[tilespmem:s2+$0x0] =	vst v0  }
0x2c: {  	[tilespmem:s2+$0xFFFFFFF0] =	vst v0  }
0x2d: {  	[tilespmem:s2+$0xFFFFFFE0] =	vst v0  }
0x2e: {  	[tilespmem:s2+$0xFFFFFFD0] =	vst v0;
	s25 =	simm.s32 $0x0;
	s26 =	simm.s32 $0x0  }
.LBB2_4:
0x2f: {  	_ =	swait.ge [sflag:s16], $0x4000  }
0x30: {  	[sflag:s16] =	ssyncset.done $0x0  }
0x31: {  	[sflag:s16] =	ssyncadd.s32 $0xFFFFC000  }
0x32: {  	s2 =	sand.u32 $0x2000, s25;
	s28 =	sand.u32 $0x1C00, s25;
	_ =	swait.ge [sflag:s17], $0x4000  }
0x33: {  	s2 =	sor.u32 s28, s2;
	s28 =	sand.u32 $0x380, s25;
	[sflag:s17] =	ssyncset.done $0x0  }
0x34: {  	s2 =	sor.u32 s28, s2;
	[sflag:s17] =	ssyncadd.s32 $0xFFFFC000  }
0x35: {  	v2 =	vld [tilespmem:s2+$0x70]  }
0x36: {  	v3 =	vld [tilespmem:s2+$0x8070]  }
0x37: {  	v4 =	vld [tilespmem:s2+$0x0]  }
0x38: {  	v5 =	vld [tilespmem:s2+$0x8000]  }
0x39: {  	v6 =	vld [tilespmem:s2+$0x10]  }
0x3a: {  	v7 =	vld [tilespmem:s2+$0x8010]  }
0x3b: {  	v8 =	vld [tilespmem:s2+$0x20]  }
0x3c: {  	v9 =	vld [tilespmem:s2+$0x8020]  }
0x3d: {  	v10 =	vld [tilespmem:s2+$0x30]  }
0x3e: {  	v11 =	vld [tilespmem:s2+$0x40];
	v2 =	vsub.f32 v2, v3  }
0x3f: {  	v12 =	vld [tilespmem:s2+$0x60];
	v4 =	vsub.f32 v4, v5  }
0x40: {  	v13 =	vld [tilespmem:s2+$0x8060];
	v6 =	vsub.f32 v6, v7;
	v2 =	vmul.f32 v2, v2  }
0x41: {  	vm0 =	veq.f32 v5, $-1.000000000e+02;
	v5 =	vld [tilespmem:s2+$0x8030];
	v4 =	vmul.f32 v4, v4  }
0x42: {  	vm1 =	veq.f32 v3, $-1.000000000e+02;
	v3 =	vmul.f32 v6, v6;
	v6 =	vld [tilespmem:s2+$0x8040];
	v2 =	vshrl.u32 v2, $0x10  }
0x43: {  	s13 =	simm.s32 $0x400;
	s28 =	simm.s32 $0x80;
	v4 =	vshrl.u32 v4, $0x10;
	v2 =	vsel vm1, $0x0, v2;
	vm1 =	veq.f32 v7, $-1.000000000e+02;
	v7 =	vld [tilespmem:s2+$0x50]  }
0x44: {  	s29 =	sand.u32 $0x2000, s28;
	s28 =	simm.s32 $0x10;
	v8 =	vsub.f32 v8, v9;
	v4 =	vsel vm0, $0x0, v4;
	vm0 =	veq.f32 v9, $-1.000000000e+02;
	v9 =	vld [tilespmem:s2+$0x8050];
	s2 =	sand.u32 $0x1C00, s13  }
0x45: {  	s2 =	sor.u32 s2, s29;
	s29 =	sand.u32 $0x380, s28  }
0x46: {  	v8 =	vmul.f32 v8, v8;
	s2 =	sor.u32 s29, s2  }
0x47: {  	v3 =	vshrl.u32 v3, $0x10;
	v14 =	vld [tilespmem:s2+$0x20]  }
0x48: {  	v8 =	vshrl.u32 v8, $0x10;
	v3 =	vsel vm1, $0x0, v3;
	v59 =	vld [tilespmem:s2+$0x8020]  }
0x49: {  	v8 =	vsel vm0, $0x0, v8;
	[tilespmem:v2+s18+$0x0] =	vst.idx.add.s32.msk $0xffff, v1  }
0x4a: {  	[tilespmem:v4+s18+$0x0] =	vst.idx.add.s32.msk $0xffff, v1  }
0x4b: {  	v2 =	vld [tilespmem:s2+$0x70]  }
0x4c: {  	v4 =	vld [tilespmem:s2+$0x8070]  }
0x4d: {  	[tilespmem:v3+s18+$0x0] =	vst.idx.add.s32.msk $0xffff, v1;
	v3 =	vsub.f32 v10, v5  }
0x4e: {  	vm0 =	veq.f32 v5, $-1.000000000e+02;
	[tilespmem:v8+s18+$0x0] =	vst.idx.add.s32.msk $0xffff, v1;
	v10 =	vsub.f32 v11, v6;
	v5 =	vsub.f32 v7, v9  }
0x4f: {  	v8 =	vld [tilespmem:s2+$0x0];
	v3 =	vmul.f32 v3, v3  }
0x50: {  	vm1 =	veq.f32 v6, $-1.000000000e+02;
	v11 =	vld [tilespmem:s2+$0x8000];
	v6 =	vmul.f32 v10, v10;
	v5 =	vmul.f32 v5, v5  }
0x51: {  	v7 =	vld [tilespmem:s2+$0x10];
	v3 =	vshrl.u32 v3, $0x10;
	v2 =	vsub.f32 v2, v4  }
0x52: {  	v10 =	vld [tilespmem:s2+$0x8010];
	v6 =	vshrl.u32 v6, $0x10;
	v5 =	vshrl.u32 v5, $0x10;
	v3 =	vsel vm0, $0x0, v3  }
0x53: {  	vm0 =	veq.f32 v9, $-1.000000000e+02;
	v9 =	vsub.f32 v12, v13;
	v15 =	vsel vm1, $0x0, v6;
	v6 =	vld [tilespmem:s2+$0x30]  }
0x54: {  	v2 =	vmul.f32 v2, v2;
	v60 =	vsel vm0, $0x0, v5;
	v5 =	vld [tilespmem:s2+$0x8030]  }
0x55: {  	vm2 =	veq.f32 v59, $-1.000000000e+02;
	vm1 =	veq.f32 v13, $-1.000000000e+02;
	v9 =	vmul.f32 v9, v9  }
0x56: {  	v16 =	vld [tilespmem:s2+$0x40];
	v8 =	vsub.f32 v8, v11;
	vm0 =	veq.f32 v4, $-1.000000000e+02;
	v2 =	vshrl.u32 v2, $0x10  }
0x57: {  	v7 =	vsub.f32 v7, v10;
	v4 =	vshrl.u32 v9, $0x10;
	v9 =	vld [tilespmem:s2+$0x8040];
	v17 =	vsel vm0, $0x0, v2  }
0x58: {  	v61 =	vld [tilespmem:s2+$0x50];
	v2 =	vsel vm1, $0x0, v4;
	v4 =	vmul.f32 v8, v8;
	v8 =	vsub.f32 v14, v59  }
0x59: {  	v7 =	vmul.f32 v7, v7;
	vm1 =	veq.f32 v10, $-1.000000000e+02;
	v10 =	vld [tilespmem:s2+$0x8050];
	v6 =	vsub.f32 v6, v5  }
0x5a: {  	vm0 =	veq.f32 v11, $-1.000000000e+02;
	v11 =	vld [tilespmem:s2+$0x60];
	v4 =	vshrl.u32 v4, $0x10;
	v8 =	vmul.f32 v8, v8  }
0x5b: {  	v7 =	vshrl.u32 v7, $0x10;
	v62 =	vsel vm0, $0x0, v4;
	v4 =	vld [tilespmem:s2+$0x8060];
	v63 =	vmul.f32 v6, v6  }
0x5c: {  	[tilespmem:v3+s18+$0x0] =	vst.idx.add.s32.msk $0xffff, v1;
	v6 =	vsel vm1, $0x0, v7;
	v8 =	vshrl.u32 v8, $0x10;
	v16 =	vsub.f32 v16, v9  }
0x5d: {  	[tilespmem:v15+s18+$0x0] =	vst.idx.add.s32.msk $0xffff, v1;
	vm0 =	veq.f32 v5, $-1.000000000e+02;
	v5 =	vsel vm2, $0x0, v8  }
0x5e: {  	[tilespmem:v60+s18+$0x0] =	vst.idx.add.s32.msk $0xffff, v1;
	v3 =	vshrl.u32 v63, $0x10;
	v8 =	vsub.f32 v61, v10;
	v7 =	vmul.f32 v16, v16  }
0x5f: {  	[tilespmem:v17+s18+$0x0] =	vst.idx.add.s32.msk $0xffff, v1;
	vm1 =	veq.f32 v9, $-1.000000000e+02;
	v3 =	vsel vm0, $0x0, v3;
	vm0 =	veq.f32 v10, $-1.000000000e+02  }
0x60: {  	s30 =	simm.s32 $0x800;
	s31 =	simm.s32 $0x100;
	s29 =	simm.s32 $0x8;
	[tilespmem:v62+s18+$0x0] =	vst.idx.add.s32.msk $0xffff, v1;
	v9 =	vshrl.u32 v7, $0x10;
	v7 =	vmul.f32 v8, v8;
	v8 =	vsub.f32 v11, v4  }
.LBB2_5:
0x61: {  	s2 =	sand.u32 $0x2000, s31;
	s0 =	sand.u32 $0x1C00, s30;
	[tilespmem:v6+s18+$0x0] =	vst.idx.add.s32.msk $0xffff, v1;
	v9 =	vsel vm1, $0x0, v9;
	vm1 =	veq.f32 v4, $-1.000000000e+02;
	s28 =	sadd.s32 $0x10, s28  }
0x62: {  	s29 =	sadd.s32 $0x8, s29;
	s0 =	sor.u32 s0, s2;
	s2 =	sand.u32 $0x380, s28;
	[tilespmem:v5+s18+$0x0] =	vst.idx.add.s32.msk $0xffff, v1;
	v4 =	vshrl.u32 v7, $0x10;
	v5 =	vmul.f32 v8, v8  }
0x63: {  	p0 =	slt.u32 s29, $0x3F8;
	s0 =	sor.u32 s2, s0;
	v7 =	vsel vm0, $0x0, v4;
	[tilespmem:v2+s18+$0x0] =	vst.idx.add.s32.msk $0xffff, v1  }
0x64: {  	v4 =	vld [tilespmem:s0+$0x70];
	v2 =	vshrl.u32 v5, $0x10  }
0x65: {  	v5 =	vld [tilespmem:s0+$0x8070];
	v2 =	vsel vm1, $0x0, v2  }
0x66: {  	v6 =	vld [tilespmem:s0+$0x0]  }
0x67: {  	v8 =	vld [tilespmem:s0+$0x8000]  }
0x68: {  	v10 =	vld [tilespmem:s0+$0x10]  }
0x69: {  	v11 =	vld [tilespmem:s0+$0x8010]  }
0x6a: {  	v12 =	vld [tilespmem:s0+$0x20];
	v4 =	vsub.f32 v4, v5  }
0x6b: {  	v13 =	vld [tilespmem:s0+$0x8020]  }
0x6c: {  	v6 =	vsub.f32 v6, v8;
	vm0 =	veq.f32 v8, $-1.000000000e+02;
	v8 =	vld [tilespmem:s0+$0x30];
	v4 =	vmul.f32 v4, v4  }
0x6d: {  	v14 =	vld [tilespmem:s0+$0x8030]  }
0x6e: {  	vm1 =	veq.f32 v5, $-1.000000000e+02;
	v10 =	vsub.f32 v10, v11;
	v15 =	vld [tilespmem:s0+$0x40];
	v4 =	vshrl.u32 v4, $0x10  }
0x6f: {  	v5 =	vmul.f32 v6, v6;
	vm2 =	veq.f32 v11, $-1.000000000e+02;
	v11 =	vld [tilespmem:s0+$0x8040];
	v16 =	vsel vm1, $0x0, v4  }
0x70: {  	v4 =	vmul.f32 v10, v10;
	v6 =	vsub.f32 v12, v13;
	vm1 =	veq.f32 v13, $-1.000000000e+02;
	v10 =	vld [tilespmem:s0+$0x50]  }
0x71: {  	v5 =	vshrl.u32 v5, $0x10;
	v12 =	vld [tilespmem:s0+$0x8050]  }
0x72: {  	v4 =	vshrl.u32 v4, $0x10;
	v13 =	vmul.f32 v6, v6;
	v8 =	vsub.f32 v8, v14;
	v17 =	vld [tilespmem:s0+$0x60]  }
0x73: {  	v18 =	vsel vm0, $0x0, v5;
	vm0 =	veq.f32 v14, $-1.000000000e+02;
	v6 =	vsel vm2, $0x0, v4;
	v4 =	vld [tilespmem:s0+$0x8060]  }
.Ltmp3:
0x74: {  	v5 =	vshrl.u32 v13, $0x10;
	v8 =	vmul.f32 v8, v8;
	v13 =	vsub.f32 v15, v11;
	[tilespmem:v16+s18+$0x0] =	vst.idx.add.s32.msk $0xffff, v1;
	(pc) =	sbr.rel @p0 .LBB2_5-.Ltmp3, $4  }
0x75: {  	v5 =	vsel vm1, $0x0, v5;
	vm1 =	veq.f32 v11, $-1.000000000e+02;
	[tilespmem:v3+s18+$0x0] =	vst.idx.add.s32.msk $0xffff, v1  }
0x76: {  	v3 =	vshrl.u32 v8, $0x10;
	v8 =	vmul.f32 v13, v13;
	v10 =	vsub.f32 v10, v12;
	[tilespmem:v9+s18+$0x0] =	vst.idx.add.s32.msk $0xffff, v1  }
0x77: {  	v3 =	vsel vm0, $0x0, v3;
	vm0 =	veq.f32 v12, $-1.000000000e+02;
	[tilespmem:v7+s18+$0x0] =	vst.idx.add.s32.msk $0xffff, v1  }
0x78: {  	s30 =	sadd.s32 $0x400, s30;
	s31 =	sadd.s32 $0x80, s31;
	[tilespmem:v18+s18+$0x0] =	vst.idx.add.s32.msk $0xffff, v1;
	v9 =	vshrl.u32 v8, $0x10;
	v7 =	vmul.f32 v10, v10;
	v8 =	vsub.f32 v17, v4  }
0x79: {  	_ =	sdelay $0x1  }
0x7a: {  	v8 =	vmul.f32 v8, v8  }
0x7b: {  	v9 =	vsel vm1, $0x0, v9;
	v7 =	vshrl.u32 v7, $0x10  }
0x7c: {  	[tilespmem:v6+s18+$0x0] =	vst.idx.add.s32.msk $0xffff, v1;
	vm1 =	veq.f32 v4, $-1.000000000e+02;
	v4 =	vsel vm0, $0x0, v7;
	v6 =	vshrl.u32 v8, $0x10  }
0x7d: {  	[tilespmem:v5+s18+$0x0] =	vst.idx.add.s32.msk $0xffff, v1;
	v5 =	vsel vm1, $0x0, v6  }
0x7e: {  	[tilespmem:v2+s18+$0x0] =	vst.idx.add.s32.msk $0xffff, v1  }
0x7f: {  	[tilespmem:v3+s18+$0x0] =	vst.idx.add.s32.msk $0xffff, v1;
	s28 =	sshll.u32 s26, $0xF;
	p0 =	seq.s32 s26, $0xF  }
0x80: {  	s0 =	sadd.s32 @!p0 s28, s9;
	[tilespmem:v9+s18+$0x0] =	vst.idx.add.s32.msk $0xffff, v1  }
0x81: {  	s0 =	sshrl.u32 @!p0 s0, $0x3;
	[tilespmem:v4+s18+$0x0] =	vst.idx.add.s32.msk $0xffff, v1  }
0x82: {  	s29 =	simm.s32 @!p0 $0x0;
	s2 =	sadd.s32 @!p0 s1, s0;
	[tilespmem:v5+s18+$0x0] =	vst.idx.add.s32.msk $0xffff, v1  }
0x83: {  	[tilespmem:s29], [sflag:$0x1] =	stream.linear.gather @!p0 [hbm4b:s2+s29], $0x4000, $0x38;
	[tilespmem:$0x18000] =	vst v63  }
0x84: {  	s0 =	sadd.s32 @!p0 s3, s0;
	s2 =	simm.s32 @!p0 $0x8000  }
0x85: {  	[tilespmem:s2], [sflag:$0x2] =	stream.linear.gather @!p0 [hbm4b:s0+s29], $0x4000, $0x38;
	[tilespmem:$0x18000] =	vst v63  }
0x86: {  	_ =	swait.ge [sflag:s19], $0x4000  }
0x87: {  	[sflag:s19] =	ssyncset.done $0x0  }
0x88: {  	s0 =	simm.s32 $0x0;
	[sflag:s19] =	ssyncadd.s32 $0xFFFFC000  }
0x89: {  	s13 =	sand.u32 $0x2000, s0;
	s29 =	sand.u32 $0x1C00, s0;
	_ =	swait.ge [sflag:s20], $0x4000  }
0x8a: {  	s0 =	sand.u32 $0x380, s0;
	s2 =	sor.u32 s29, s13;
	[sflag:s20] =	ssyncset.done $0x0  }
0x8b: {  	s0 =	sor.u32 s0, s2;
	[sflag:s20] =	ssyncadd.s32 $0xFFFFC000  }
0x8c: {  	v2 =	vld [tilespmem:s0+$0x4070]  }
0x8d: {  	v3 =	vld [tilespmem:s0+$0xC070]  }
0x8e: {  	v4 =	vld [tilespmem:s0+$0x4000]  }
0x8f: {  	v5 =	vld [tilespmem:s0+$0xC000]  }
0x90: {  	v6 =	vld [tilespmem:s0+$0x4010]  }
0x91: {  	v7 =	vld [tilespmem:s0+$0xC010]  }
0x92: {  	v8 =	vld [tilespmem:s0+$0x4020]  }
0x93: {  	v9 =	vld [tilespmem:s0+$0xC020]  }
0x94: {  	v10 =	vld [tilespmem:s0+$0x4030]  }
0x95: {  	v11 =	vld [tilespmem:s0+$0x4040];
	v2 =	vsub.f32 v2, v3  }
0x96: {  	v12 =	vld [tilespmem:s0+$0x4060];
	v4 =	vsub.f32 v4, v5  }
0x97: {  	v13 =	vld [tilespmem:s0+$0xC060];
	v6 =	vsub.f32 v6, v7;
	v2 =	vmul.f32 v2, v2  }
0x98: {  	vm0 =	veq.f32 v5, $-1.000000000e+02;
	v5 =	vld [tilespmem:s0+$0xC030];
	v4 =	vmul.f32 v4, v4  }
0x99: {  	vm1 =	veq.f32 v3, $-1.000000000e+02;
	v3 =	vmul.f32 v6, v6;
	v6 =	vld [tilespmem:s0+$0xC040];
	v2 =	vshrl.u32 v2, $0x10  }
0x9a: {  	v4 =	vshrl.u32 v4, $0x10;
	v2 =	vsel vm1, $0x0, v2;
	vm1 =	veq.f32 v7, $-1.000000000e+02;
	v7 =	vld [tilespmem:s0+$0x4050]  }
0x9b: {  	s13 =	simm.s32 $0x80;
	v8 =	vsub.f32 v8, v9;
	v4 =	vsel vm0, $0x0, v4;
	vm0 =	veq.f32 v9, $-1.000000000e+02;
	v9 =	vld [tilespmem:s0+$0xC050];
	s0 =	simm.s32 $0x400  }
0x9c: {  	s29 =	simm.s32 $0x10;
	s2 =	sand.u32 $0x2000, s13;
	s0 =	sand.u32 $0x1C00, s0  }
0x9d: {  	s13 =	sand.u32 $0x380, s29;
	s0 =	sor.u32 s0, s2  }
0x9e: {  	v8 =	vmul.f32 v8, v8;
	s0 =	sor.u32 s13, s0  }
0x9f: {  	v3 =	vshrl.u32 v3, $0x10;
	v14 =	vld [tilespmem:s0+$0x4020]  }
0xa0: {  	v8 =	vshrl.u32 v8, $0x10;
	v3 =	vsel vm1, $0x0, v3;
	v59 =	vld [tilespmem:s0+$0xC020]  }
0xa1: {  	v8 =	vsel vm0, $0x0, v8;
	[tilespmem:v2+s18+$0x0] =	vst.idx.add.s32.msk $0xffff, v1  }
0xa2: {  	[tilespmem:v4+s18+$0x0] =	vst.idx.add.s32.msk $0xffff, v1  }
0xa3: {  	v2 =	vld [tilespmem:s0+$0x4070]  }
0xa4: {  	v4 =	vld [tilespmem:s0+$0xC070]  }
0xa5: {  	[tilespmem:v3+s18+$0x0] =	vst.idx.add.s32.msk $0xffff, v1;
	v3 =	vsub.f32 v10, v5  }
0xa6: {  	vm0 =	veq.f32 v5, $-1.000000000e+02;
	[tilespmem:v8+s18+$0x0] =	vst.idx.add.s32.msk $0xffff, v1;
	v10 =	vsub.f32 v11, v6;
	v5 =	vsub.f32 v7, v9  }
0xa7: {  	v8 =	vld [tilespmem:s0+$0x4000];
	v3 =	vmul.f32 v3, v3  }
0xa8: {  	vm1 =	veq.f32 v6, $-1.000000000e+02;
	v11 =	vld [tilespmem:s0+$0xC000];
	v6 =	vmul.f32 v10, v10;
	v5 =	vmul.f32 v5, v5  }
0xa9: {  	v7 =	vld [tilespmem:s0+$0x4010];
	v3 =	vshrl.u32 v3, $0x10;
	v2 =	vsub.f32 v2, v4  }
0xaa: {  	v10 =	vld [tilespmem:s0+$0xC010];
	v6 =	vshrl.u32 v6, $0x10;
	v5 =	vshrl.u32 v5, $0x10;
	v3 =	vsel vm0, $0x0, v3  }
0xab: {  	vm0 =	veq.f32 v9, $-1.000000000e+02;
	v9 =	vsub.f32 v12, v13;
	v15 =	vsel vm1, $0x0, v6;
	v6 =	vld [tilespmem:s0+$0x4030]  }
0xac: {  	v2 =	vmul.f32 v2, v2;
	v60 =	vsel vm0, $0x0, v5;
	v5 =	vld [tilespmem:s0+$0xC030]  }
0xad: {  	vm2 =	veq.f32 v59, $-1.000000000e+02;
	vm1 =	veq.f32 v13, $-1.000000000e+02;
	v9 =	vmul.f32 v9, v9  }
0xae: {  	v16 =	vld [tilespmem:s0+$0x4040];
	v8 =	vsub.f32 v8, v11;
	vm0 =	veq.f32 v4, $-1.000000000e+02;
	v2 =	vshrl.u32 v2, $0x10  }
0xaf: {  	v7 =	vsub.f32 v7, v10;
	v4 =	vshrl.u32 v9, $0x10;
	v9 =	vld [tilespmem:s0+$0xC040];
	v17 =	vsel vm0, $0x0, v2  }
0xb0: {  	v61 =	vld [tilespmem:s0+$0x4050];
	v2 =	vsel vm1, $0x0, v4;
	v4 =	vmul.f32 v8, v8;
	v8 =	vsub.f32 v14, v59  }
0xb1: {  	v7 =	vmul.f32 v7, v7;
	vm1 =	veq.f32 v10, $-1.000000000e+02;
	v10 =	vld [tilespmem:s0+$0xC050];
	v6 =	vsub.f32 v6, v5  }
0xb2: {  	vm0 =	veq.f32 v11, $-1.000000000e+02;
	v11 =	vld [tilespmem:s0+$0x4060];
	v4 =	vshrl.u32 v4, $0x10;
	v8 =	vmul.f32 v8, v8  }
0xb3: {  	v7 =	vshrl.u32 v7, $0x10;
	v62 =	vsel vm0, $0x0, v4;
	v4 =	vld [tilespmem:s0+$0xC060];
	v63 =	vmul.f32 v6, v6  }
0xb4: {  	[tilespmem:v3+s18+$0x0] =	vst.idx.add.s32.msk $0xffff, v1;
	v6 =	vsel vm1, $0x0, v7;
	v8 =	vshrl.u32 v8, $0x10;
	v16 =	vsub.f32 v16, v9  }
0xb5: {  	[tilespmem:v15+s18+$0x0] =	vst.idx.add.s32.msk $0xffff, v1;
	vm0 =	veq.f32 v5, $-1.000000000e+02;
	v5 =	vsel vm2, $0x0, v8  }
0xb6: {  	[tilespmem:v60+s18+$0x0] =	vst.idx.add.s32.msk $0xffff, v1;
	v3 =	vshrl.u32 v63, $0x10;
	v8 =	vsub.f32 v61, v10;
	v7 =	vmul.f32 v16, v16  }
0xb7: {  	[tilespmem:v17+s18+$0x0] =	vst.idx.add.s32.msk $0xffff, v1;
	vm1 =	veq.f32 v9, $-1.000000000e+02;
	v3 =	vsel vm0, $0x0, v3;
	vm0 =	veq.f32 v10, $-1.000000000e+02  }
0xb8: {  	s30 =	simm.s32 $0x8;
	s31 =	simm.s32 $0x800;
	s2 =	simm.s32 $0x100;
	[tilespmem:v62+s18+$0x0] =	vst.idx.add.s32.msk $0xffff, v1;
	v9 =	vshrl.u32 v7, $0x10;
	v7 =	vmul.f32 v8, v8;
	v8 =	vsub.f32 v11, v4  }
.LBB2_7:
0xb9: {  	s0 =	sand.u32 $0x2000, s2;
	s13 =	sand.u32 $0x1C00, s31;
	[tilespmem:v6+s18+$0x0] =	vst.idx.add.s32.msk $0xffff, v1;
	v9 =	vsel vm1, $0x0, v9;
	vm1 =	veq.f32 v4, $-1.000000000e+02;
	s29 =	sadd.s32 $0x10, s29  }
0xba: {  	s30 =	sadd.s32 $0x8, s30;
	s0 =	sor.u32 s13, s0;
	s13 =	sand.u32 $0x380, s29;
	[tilespmem:v5+s18+$0x0] =	vst.idx.add.s32.msk $0xffff, v1;
	v4 =	vshrl.u32 v7, $0x10;
	v5 =	vmul.f32 v8, v8  }
0xbb: {  	p1 =	slt.u32 s30, $0x3F8;
	s0 =	sor.u32 s13, s0;
	v7 =	vsel vm0, $0x0, v4;
	[tilespmem:v2+s18+$0x0] =	vst.idx.add.s32.msk $0xffff, v1  }
0xbc: {  	v4 =	vld [tilespmem:s0+$0x4070];
	v2 =	vshrl.u32 v5, $0x10  }
0xbd: {  	v5 =	vld [tilespmem:s0+$0xC070];
	v2 =	vsel vm1, $0x0, v2  }
0xbe: {  	v6 =	vld [tilespmem:s0+$0x4000]  }
0xbf: {  	v8 =	vld [tilespmem:s0+$0xC000]  }
0xc0: {  	v10 =	vld [tilespmem:s0+$0x4010]  }
0xc1: {  	v11 =	vld [tilespmem:s0+$0xC010]  }
0xc2: {  	v12 =	vld [tilespmem:s0+$0x4020];
	v4 =	vsub.f32 v4, v5  }
0xc3: {  	v13 =	vld [tilespmem:s0+$0xC020]  }
0xc4: {  	v6 =	vsub.f32 v6, v8;
	vm0 =	veq.f32 v8, $-1.000000000e+02;
	v8 =	vld [tilespmem:s0+$0x4030];
	v4 =	vmul.f32 v4, v4  }
0xc5: {  	v14 =	vld [tilespmem:s0+$0xC030]  }
0xc6: {  	vm1 =	veq.f32 v5, $-1.000000000e+02;
	v10 =	vsub.f32 v10, v11;
	v15 =	vld [tilespmem:s0+$0x4040];
	v4 =	vshrl.u32 v4, $0x10  }
0xc7: {  	v5 =	vmul.f32 v6, v6;
	vm2 =	veq.f32 v11, $-1.000000000e+02;
	v11 =	vld [tilespmem:s0+$0xC040];
	v16 =	vsel vm1, $0x0, v4  }
0xc8: {  	v4 =	vmul.f32 v10, v10;
	v6 =	vsub.f32 v12, v13;
	vm1 =	veq.f32 v13, $-1.000000000e+02;
	v10 =	vld [tilespmem:s0+$0x4050]  }
0xc9: {  	v5 =	vshrl.u32 v5, $0x10;
	v12 =	vld [tilespmem:s0+$0xC050]  }
0xca: {  	v4 =	vshrl.u32 v4, $0x10;
	v13 =	vmul.f32 v6, v6;
	v8 =	vsub.f32 v8, v14;
	v17 =	vld [tilespmem:s0+$0x4060]  }
0xcb: {  	v18 =	vsel vm0, $0x0, v5;
	vm0 =	veq.f32 v14, $-1.000000000e+02;
	v6 =	vsel vm2, $0x0, v4;
	v4 =	vld [tilespmem:s0+$0xC060]  }
.Ltmp4:
0xcc: {  	v5 =	vshrl.u32 v13, $0x10;
	v8 =	vmul.f32 v8, v8;
	v13 =	vsub.f32 v15, v11;
	[tilespmem:v16+s18+$0x0] =	vst.idx.add.s32.msk $0xffff, v1;
	(pc) =	sbr.rel @p1 .LBB2_7-.Ltmp4, $4  }
0xcd: {  	v5 =	vsel vm1, $0x0, v5;
	vm1 =	veq.f32 v11, $-1.000000000e+02;
	[tilespmem:v3+s18+$0x0] =	vst.idx.add.s32.msk $0xffff, v1  }
0xce: {  	v3 =	vshrl.u32 v8, $0x10;
	v8 =	vmul.f32 v13, v13;
	v10 =	vsub.f32 v10, v12;
	[tilespmem:v9+s18+$0x0] =	vst.idx.add.s32.msk $0xffff, v1  }
0xcf: {  	v3 =	vsel vm0, $0x0, v3;
	vm0 =	veq.f32 v12, $-1.000000000e+02;
	[tilespmem:v7+s18+$0x0] =	vst.idx.add.s32.msk $0xffff, v1  }
0xd0: {  	s31 =	sadd.s32 $0x400, s31;
	s2 =	sadd.s32 $0x80, s2;
	[tilespmem:v18+s18+$0x0] =	vst.idx.add.s32.msk $0xffff, v1;
	v9 =	vshrl.u32 v8, $0x10;
	v7 =	vmul.f32 v10, v10;
	v8 =	vsub.f32 v17, v4  }
0xd1: {  	_ =	sdelay $0x1  }
0xd2: {  	v8 =	vmul.f32 v8, v8  }
0xd3: {  	v9 =	vsel vm1, $0x0, v9;
	v7 =	vshrl.u32 v7, $0x10  }
0xd4: {  	[tilespmem:v6+s18+$0x0] =	vst.idx.add.s32.msk $0xffff, v1;
	vm15 =	veq.f32 v4, $-1.000000000e+02;
	v61 =	vsel vm0, $0x0, v7;
	v62 =	vshrl.u32 v8, $0x10  }
0xd5: {  	[tilespmem:v5+s18+$0x0] =	vst.idx.add.s32.msk $0xffff, v1;
	v63 =	vsel vm15, $0x0, v62  }
.Ltmp5:
0xd6: {  	[tilespmem:v2+s18+$0x0] =	vst.idx.add.s32.msk $0xffff, v1;
	(pc) =	sbr.rel @p0 .LBB2_10-.Ltmp5, $4  }
0xd7: {  	[tilespmem:v3+s18+$0x0] =	vst.idx.add.s32.msk $0xffff, v1  }
0xd8: {  	[tilespmem:v9+s18+$0x0] =	vst.idx.add.s32.msk $0xffff, v1  }
0xd9: {  	[tilespmem:v61+s18+$0x0] =	vst.idx.add.s32.msk $0xffff, v1  }
0xda: {  	[tilespmem:v63+s18+$0x0] =	vst.idx.add.s32.msk $0xffff, v1  }
0xdb: {  	s0 =	sadd.s32 s28, s10  }
.Ltmp6:
0xdc: {  	s0 =	sshrl.u32 s0, $0x3;
	(pc) =	sbr.rel .LBB2_4-.Ltmp6, $4  }
0xdd: {  	s2 =	sadd.s32 s1, s0  }
0xde: {  	[tilespmem:s14], [sflag:$0x3] =	stream.linear.gather [hbm4b:s2+s4], $0x4000, $0x38;
	[tilespmem:$0x18000] =	vst v63  }
0xdf: {  	s26 =	sadd.s32 $0x1, s26;
	s0 =	sadd.s32 s3, s0  }
0xe0: {  	[tilespmem:s15], [sflag:$0x4] =	stream.linear.gather [hbm4b:s0+s4], $0x4000, $0x38;
	[tilespmem:$0x18000] =	vst v63  }
.LBB2_11:
0xe1: {  	_ =	sfence.sel $0x180000  }
0xe2: {  	[bflag:$0x0] =	sbarrier.arrive $0xFFFF  }
0xe3: {  	_ =	strace $0x90000047  }
0xe4: {  	s0 =	stileid.u32;
	[bflag:$0x2] =	sbarrier.arrive $0xFFFF  }
0xe5: {  	p0 =	sne.s32 s0, $0x0;
	s0 =	rddreg [dreg:$0x3]  }
0xe6: {  	s0 =	sadd.s32 @!p0 $0x100000, s0  }
0xe7: {  	[sflag:s0] =	ssyncadd.tile.s32 @!p0 $0x1;
	_ =	shalt  }
.Lfunc_end2:
_tile_overlayer_lowered:
.L_overlay_start_2:
0xe8: {  	(tag) =	ssettag $0x2  }
0xe9: {  	s0 =	rddreg [dreg:$0x0];
	s2 =	stileid.u32  }
0xea: {  	s1 =	rddreg [dreg:$0x1];
	p0 =	sne.s32 s2, $0x0  }
0xeb: {  	s3 =	rddreg [dreg:$0x2];
	[bflag:$0x3] =	sbarrier.arrive $0xFFFF;
	s2 =	simm.s32 @!p0 $0x1C05  }
0xec: {  	[timem:s3], [sflag:s2] =	dma.local @!p0 [hbm:s0], s1  }
0xed: {  	s0 =	simm.s32 @!p0 $0x5  }
0xee: {  	_ =	swait.ge @!p0 [sflag:s0], s1  }
0xef: {  	s1 =	ssub.s32 @!p0 $0x0, s1;
	[sflag:s0] =	ssyncset.done @!p0 $0x0  }
0xf0: {  	[sflag:s0] =	ssyncadd.s32 @!p0 s1  }
0xf1: {  	[bflag:$0x3] =	sbarrier.arrive $0xFFFF  }
0xf2: {  	_ =	shalt  }

</sc_bundles>
